<compile_context>
chip_gen: v7x
topology: tpu7x:2x2x1
jax: 0.10.2.dev20260603
libtpu: 0.0.44.dev20260713+nightly
codegen_flags: <defaults>
</compile_context>

<pallas_src>
import functools

import jax
import jax.numpy as jnp
from jax import lax
from jax.experimental import pallas as pl
from jax.experimental.pallas import tpu as pltpu
from jax.experimental.pallas import tpu_sc as plsc

_NC = 2
_NS = 16
_NW = _NC * _NS

_CHUNK = 8192
_LANES = 16
_UNROLL = 4


def _make_sc_kernel(n_pix_per_worker, n_out_elems):
    n_chunks = n_pix_per_worker // _CHUNK
    vecs = _CHUNK // _LANES
    mesh = plsc.VectorSubcoreMesh(core_axis_name="c", subcore_axis_name="s")

    @functools.partial(
        pl.kernel,
        mesh=mesh,
        compiler_params=pltpu.CompilerParams(needs_layout_passes=False),
        out_type=jax.ShapeDtypeStruct((n_out_elems,), jnp.float32),
        scratch_types=[
            pltpu.VMEM((256,), jnp.float32),
            pltpu.VMEM((768,), jnp.float32),
            pltpu.VMEM((2 * _CHUNK,), jnp.float32),
            pltpu.VMEM((2 * 3 * _CHUNK,), jnp.float32),
            pltpu.SemaphoreType.DMA,
            pltpu.SemaphoreType.DMA,
            pltpu.SemaphoreType.DMA,
            pltpu.SemaphoreType.DMA,
        ],
    )
    def sc_kernel(x_hbm, keys_hbm, colors_hbm, out_hbm,
                  keys_v, colors_v, in_v, out_v, sin0, sin1, sout0, sout1):
        wid = lax.axis_index("s") * _NC + lax.axis_index("c")
        in_base = wid * n_pix_per_worker
        out_base = wid * 3 * n_pix_per_worker

        pltpu.sync_copy(keys_hbm, keys_v)
        pltpu.sync_copy(colors_hbm, colors_v)

        def in_copy(c, bi, sem):
            src = x_hbm.at[pl.ds(in_base + c * _CHUNK, _CHUNK)]
            return pltpu.make_async_copy(
                src, in_v.at[pl.ds(bi * _CHUNK, _CHUNK)], sem)

        def out_copy(c, bi, ch, sem):
            dst = out_hbm.at[pl.ds(out_base + ch * n_pix_per_worker + c * _CHUNK,
                                   _CHUNK)]
            return pltpu.make_async_copy(
                out_v.at[pl.ds((bi * 3 + ch) * _CHUNK, _CHUNK)], dst, sem)

        def compute(bi):
            @plsc.parallel_loop(0, vecs, 1, unroll=_UNROLL)
            def body(i):
                off = i * _LANES
                x = in_v[pl.ds(bi * _CHUNK + off, _LANES)]
                t = x * 254.0 + 0.5
                g = t.astype(jnp.int32)
                g = jnp.minimum(jnp.maximum(g, 0), 254)
                k = plsc.load_gather(keys_v, [g])
                j = g + jnp.where(x > k, 1, 0)
                ob = bi * 3 * _CHUNK + off
                out_v[pl.ds(ob, _LANES)] = plsc.load_gather(
                    colors_v, [j])
                out_v[pl.ds(ob + _CHUNK, _LANES)] = plsc.load_gather(
                    colors_v, [j + 256])
                out_v[pl.ds(ob + 2 * _CHUNK, _LANES)] = plsc.load_gather(
                    colors_v, [j + 512])

        in_copy(0, 0, sin0).start()

        def chunk_pair(p, carry):
            c0 = p * 2
            c1 = c0 + 1
            in_copy(c0, 0, sin0).wait()
            in_copy(c1, 1, sin1).start()

            @pl.when(p > 0)
            def _():
                for ch in range(3):
                    out_copy(c0 - 2, 0, ch, sout0).wait()

            compute(0)
            for ch in range(3):
                out_copy(c0, 0, ch, sout0).start()

            in_copy(c1, 1, sin1).wait()

            @pl.when(p < n_chunks // 2 - 1)
            def _():
                in_copy(c0 + 2, 0, sin0).start()

            @pl.when(p > 0)
            def _():
                for ch in range(3):
                    out_copy(c1 - 2, 1, ch, sout1).wait()

            compute(1)
            for ch in range(3):
                out_copy(c1, 1, ch, sout1).start()
            return carry

        lax.fori_loop(0, n_chunks // 2, chunk_pair, 0)
        for ch in range(3):
            out_copy(n_chunks - 2, 0, ch, sout0).wait()
        for ch in range(3):
            out_copy(n_chunks - 1, 1, ch, sout1).wait()

    return sc_kernel


def kernel(input_tensor, colors):
    B, C, H, W = input_tensor.shape
    n_pix = B * C * H * W
    n_pix_per_worker = n_pix // _NW
    num_colors = colors.shape[1]

    x_flat = input_tensor.reshape(-1)
    keys = jnp.linspace(0.0, 1.0, num_colors - 1, dtype=jnp.float32)
    keys_pad = jnp.concatenate([keys, jnp.zeros((1,), jnp.float32)])
    colors_flat = colors.reshape(-1)

    sc = _make_sc_kernel(n_pix_per_worker, 3 * n_pix)
    out = sc(x_flat, keys_pad, colors_flat)
    return out.reshape(B, C * 3, H, W)

# --- scband reference (transcript-rebuilt; emitter-appended) ---
"""Pipeline reference for scband-apply-color-map-14826227105829 (READ-ONLY COPY).

The authoritative reference and input builder live on the scoring server;
editing this copy changes nothing except your own understanding.
"""

import jax, jax.numpy as jnp
import numpy as np

# Custom base colormap passed to ColorMap(base=[[0,0,1],[0,1,0],[1,0,0]]) -> stored transposed as [3, n_base]
_BASE = np.array([[0.0, 0.0, 1.0], [0.0, 1.0, 0.0], [1.0, 0.0, 0.0]], dtype=np.float32).T
_NUM_COLORS = 256


def _generate_color_map(base, num_colors):
    # Faithful reimplementation of torch.nn.functional.interpolate(mode='linear',
    # align_corners=False) along the last dim. base: [3, n_base] -> [3, num_colors]
    n = base.shape[1]
    scale = n / num_colors
    x = (jnp.arange(num_colors, dtype=jnp.float32) + 0.5) * scale - 0.5
    x = jnp.clip(x, 0.0, float(n - 1))
    x0 = jnp.floor(x).astype(jnp.int32)
    x1 = jnp.minimum(x0 + 1, n - 1)
    w = x - x0.astype(jnp.float32)
    return base[:, x0] * (1.0 - w) + base[:, x1] * w


def setup_inputs(seed: int = 0) -> dict:
    key = jax.random.key(seed)
    k1, _ = jax.random.split(key)
    # float values in [0, 1] (valid per the module's contract)
    input_tensor = jax.random.uniform(k1, (32, 1, 512, 512), dtype=jnp.float32)
    colors = _generate_color_map(jnp.asarray(_BASE), _NUM_COLORS)  # [3, 256]
    return {"input_tensor": input_tensor, "colors": colors}


def reference(input_tensor, colors):
    B, C, H, W = input_tensor.shape
    x = input_tensor.reshape(B, C, -1)
    # max_value = 1.0 if max <= 1.0 else 255.0
    max_value = jnp.where(jnp.max(x) <= 1.0, 1.0, 255.0)
    x = x.astype(jnp.float32) / max_value
    cols = jnp.transpose(colors, (1, 0))  # [num_colors, channels_cmap]
    num_colors, channels_cmap = cols.shape
    keys = jnp.linspace(0.0, 1.0, num_colors - 1, dtype=x.dtype)
    # torch.bucketize(..., right=False) == searchsorted side='left'
    indices = jnp.searchsorted(keys, x, side='left')  # [B, C, H*W]
    out = jnp.take(cols, indices, axis=0)  # [B, C, H*W, channels_cmap]
    out = jnp.transpose(out, (0, 1, 3, 2)).reshape(B, C * channels_cmap, H, W)
    return out

if __name__ == "__main__":
    import jax
    _d = setup_inputs()
    print(jax.jit(kernel)(*tuple(_d.values())))

</pallas_src>

<mosaic_0001>
#map = affine_map<(d0, d1) -> (0)>
module attributes {stable_mosaic.version = 14 : i64} {
  func.func @sc_kernel(%arg0: i32, %arg1: i32, %arg2: memref<8388608xf32, #tpu.memory_space<hbm>>, %arg3: memref<256xf32, #tpu.memory_space<hbm>>, %arg4: memref<768xf32, #tpu.memory_space<hbm>>, %arg5: memref<25165824xf32, #tpu.memory_space<hbm>>, %arg6: memref<256xf32, #tpu.memory_space<vmem>>, %arg7: memref<768xf32, #tpu.memory_space<vmem>>, %arg8: memref<16384xf32, #tpu.memory_space<vmem>>, %arg9: memref<49152xf32, #tpu.memory_space<vmem>>, %arg10: memref<!tpu.dma_semaphore, #tpu.memory_space<semaphore_mem>>, %arg11: memref<!tpu.dma_semaphore, #tpu.memory_space<semaphore_mem>>, %arg12: memref<!tpu.dma_semaphore, #tpu.memory_space<semaphore_mem>>, %arg13: memref<!tpu.dma_semaphore, #tpu.memory_space<semaphore_mem>>) attributes {dimension_semantics = [#tpu.dimension_semantics<core_parallel>, #tpu.dimension_semantics<subcore_parallel>], iteration_bounds = array<i64: 2, 16>, scalar_prefetch = 0 : i64, scratch_operands = 8 : i64, tpu.core_type = #tpu.core_type<sc_vector_subcore>, window_params = [{transform_indices = #map}, {transform_indices = #map}, {transform_indices = #map}, {transform_indices = #map}]} {
    %mul3A = arith.constant 2 : i32
    %mul3A_0 = arith.muli %arg1, %mul3A : i32
    %add3A = arith.addi %mul3A_0, %arg0 : i32
    %mul3A_1 = arith.constant 262144 : i32
    %mul3A_2 = arith.muli %add3A, %mul3A_1 : i32
    %mul3A_3 = arith.constant 3 : i32
    %mul3A_4 = arith.muli %add3A, %mul3A_3 : i32
    %mul3A_5 = arith.constant 262144 : i32
    %mul3A_6 = arith.muli %mul3A_4, %mul3A_5 : i32
    "tpu.region"() ({
      %run_scoped3A = tpu.sem_alloc : memref<!tpu.dma_semaphore, #tpu.memory_space<semaphore_mem>>
      tpu.enqueue_dma source(%arg3 : memref<256xf32, #tpu.memory_space<hbm>>) target(%arg6 : memref<256xf32, #tpu.memory_space<vmem>>) target_semaphore(%run_scoped3A : memref<!tpu.dma_semaphore, #tpu.memory_space<semaphore_mem>>)
      tpu.wait_dma2 semaphore(%run_scoped3A : memref<!tpu.dma_semaphore, #tpu.memory_space<semaphore_mem>>) src(%arg3 : memref<256xf32, #tpu.memory_space<hbm>>) dst(%arg6 : memref<256xf32, #tpu.memory_space<vmem>>)
      tpu.yield
    }) : () -> ()
    "tpu.region"() ({
      %run_scoped3A = tpu.sem_alloc : memref<!tpu.dma_semaphore, #tpu.memory_space<semaphore_mem>>
      tpu.enqueue_dma source(%arg4 : memref<768xf32, #tpu.memory_space<hbm>>) target(%arg7 : memref<768xf32, #tpu.memory_space<vmem>>) target_semaphore(%run_scoped3A : memref<!tpu.dma_semaphore, #tpu.memory_space<semaphore_mem>>)
      tpu.wait_dma2 semaphore(%run_scoped3A : memref<!tpu.dma_semaphore, #tpu.memory_space<semaphore_mem>>) src(%arg4 : memref<768xf32, #tpu.memory_space<hbm>>) dst(%arg7 : memref<768xf32, #tpu.memory_space<vmem>>)
      tpu.yield
    }) : () -> ()
    %add3A_7 = arith.constant 0 : i32
    %add3A_8 = arith.addi %mul3A_2, %add3A_7 : i32
    %dma_start3A = arith.constant 0 : i32
    %dma_start3A_9 = tpu.memref_slice %arg8[%dma_start3A] : memref<16384xf32, #tpu.memory_space<vmem>> -> memref<8192xf32, #tpu.memory_space<vmem>>
    %dma_start3A_10 = tpu.memref_slice %arg2[%add3A_8] : memref<8388608xf32, #tpu.memory_space<hbm>> -> memref<8192xf32, #tpu.memory_space<hbm>>
    %dma_start3A_11 = arith.constant 0 : i32
    %dma_start3A_12 = tpu.memref_slice %arg8[%dma_start3A_11] : memref<16384xf32, #tpu.memory_space<vmem>> -> memref<8192xf32, #tpu.memory_space<vmem>>
    %dma_start3A_13 = tpu.memref_slice %arg2[%add3A_8] : memref<8388608xf32, #tpu.memory_space<hbm>> -> memref<8192xf32, #tpu.memory_space<hbm>>
    tpu.enqueue_dma source(%dma_start3A_13 : memref<8192xf32, #tpu.memory_space<hbm>>) target(%dma_start3A_12 : memref<8192xf32, #tpu.memory_space<vmem>>) target_semaphore(%arg10 : memref<!tpu.dma_semaphore, #tpu.memory_space<semaphore_mem>>)
    %scan3A = arith.constant 0 : i32
    %scan3A_14 = arith.constant 0 : i32
    %scan3A_15 = arith.constant 16 : i32
    %scan3A_16 = arith.addi %scan3A_14, %scan3A_15 : i32
    %scan3A_17 = arith.constant 1 : i32
    scf.for %scan3A_78 = %scan3A_14 to %scan3A_16 step %scan3A_17  : i32 {
      %mul3A_79 = arith.constant 2 : i32
      %mul3A_80 = arith.muli %scan3A_78, %mul3A_79 : i32
      %add3A_81 = arith.constant 1 : i32
      %add3A_82 = arith.addi %mul3A_80, %add3A_81 : i32
      %mul3A_83 = arith.constant 8192 : i32
      %mul3A_84 = arith.muli %mul3A_80, %mul3A_83 : i32
      %add3A_85 = arith.addi %mul3A_2, %mul3A_84 : i32
      %dma_wait3A_86 = arith.constant 0 : i32
      %dma_wait3A_87 = tpu.memref_slice %arg8[%dma_wait3A_86] : memref<16384xf32, #tpu.memory_space<vmem>> -> memref<8192xf32, #tpu.memory_space<vmem>>
      %dma_wait3A_88 = tpu.memref_slice %arg2[%add3A_85] : memref<8388608xf32, #tpu.memory_space<hbm>> -> memref<8192xf32, #tpu.memory_space<hbm>>
      %dma_wait3A_89 = arith.constant 0 : i32
      %dma_wait3A_90 = tpu.memref_slice %arg8[%dma_wait3A_89] : memref<16384xf32, #tpu.memory_space<vmem>> -> memref<8192xf32, #tpu.memory_space<vmem>>
      %dma_wait3A_91 = tpu.memref_slice %arg2[%add3A_85] : memref<8388608xf32, #tpu.memory_space<hbm>> -> memref<8192xf32, #tpu.memory_space<hbm>>
      tpu.wait_dma2 semaphore(%arg10 : memref<!tpu.dma_semaphore, #tpu.memory_space<semaphore_mem>>) src(%dma_wait3A_91 : memref<8192xf32, #tpu.memory_space<hbm>>) dst(%dma_wait3A_90 : memref<8192xf32, #tpu.memory_space<vmem>>)
      %mul3A_92 = arith.constant 8192 : i32
      %mul3A_93 = arith.muli %add3A_82, %mul3A_92 : i32
      %add3A_94 = arith.addi %mul3A_2, %mul3A_93 : i32
      %dma_start3A_95 = arith.constant 8192 : i32
      %dma_start3A_96 = tpu.memref_slice %arg8[%dma_start3A_95] : memref<16384xf32, #tpu.memory_space<vmem>> -> memref<8192xf32, #tpu.memory_space<vmem>>
      %dma_start3A_97 = tpu.memref_slice %arg2[%add3A_94] : memref<8388608xf32, #tpu.memory_space<hbm>> -> memref<8192xf32, #tpu.memory_space<hbm>>
      %dma_start3A_98 = arith.constant 8192 : i32
      %dma_start3A_99 = tpu.memref_slice %arg8[%dma_start3A_98] : memref<16384xf32, #tpu.memory_space<vmem>> -> memref<8192xf32, #tpu.memory_space<vmem>>
      %dma_start3A_100 = tpu.memref_slice %arg2[%add3A_94] : memref<8388608xf32, #tpu.memory_space<hbm>> -> memref<8192xf32, #tpu.memory_space<hbm>>
      tpu.enqueue_dma source(%dma_start3A_100 : memref<8192xf32, #tpu.memory_space<hbm>>) target(%dma_start3A_99 : memref<8192xf32, #tpu.memory_space<vmem>>) target_semaphore(%arg11 : memref<!tpu.dma_semaphore, #tpu.memory_space<semaphore_mem>>)
      %gt3A = arith.constant 0 : i32
      %gt3A_101 = arith.cmpi sgt, %scan3A_78, %gt3A : i32
      %convert_element_type3A = arith.extui %gt3A_101 : i1 to i32
      %cond3A = arith.constant 0 : i32
      %cond3A_102 = arith.cmpi ne, %convert_element_type3A, %cond3A : i32
      scf.if %cond3A_102 {
        %sub3A = arith.constant 2 : i32
        %sub3A_192 = arith.subi %mul3A_80, %sub3A : i32
        %add3A_193 = arith.constant 0 : i32
        %add3A_194 = arith.addi %mul3A_6, %add3A_193 : i32
        %mul3A_195 = arith.constant 8192 : i32
        %mul3A_196 = arith.muli %sub3A_192, %mul3A_195 : i32
        %add3A_197 = arith.addi %add3A_194, %mul3A_196 : i32
        %dma_wait3A_198 = arith.constant 0 : i32
        %dma_wait3A_199 = tpu.memref_slice %arg9[%dma_wait3A_198] : memref<49152xf32, #tpu.memory_space<vmem>> -> memref<8192xf32, #tpu.memory_space<vmem>>
        %dma_wait3A_200 = tpu.memref_slice %arg5[%add3A_197] : memref<25165824xf32, #tpu.memory_space<hbm>> -> memref<8192xf32, #tpu.memory_space<hbm>>
        %dma_wait3A_201 = tpu.memref_slice %arg5[%add3A_197] : memref<25165824xf32, #tpu.memory_space<hbm>> -> memref<8192xf32, #tpu.memory_space<hbm>>
        %dma_wait3A_202 = arith.constant 0 : i32
        %dma_wait3A_203 = tpu.memref_slice %arg9[%dma_wait3A_202] : memref<49152xf32, #tpu.memory_space<vmem>> -> memref<8192xf32, #tpu.memory_space<vmem>>
        tpu.wait_dma2 semaphore(%arg12 : memref<!tpu.dma_semaphore, #tpu.memory_space<semaphore_mem>>) src(%dma_wait3A_203 : memref<8192xf32, #tpu.memory_space<vmem>>) dst(%dma_wait3A_201 : memref<8192xf32, #tpu.memory_space<hbm>>)
        %sub3A_204 = arith.constant 2 : i32
        %sub3A_205 = arith.subi %mul3A_80, %sub3A_204 : i32
        %add3A_206 = arith.constant 262144 : i32
        %add3A_207 = arith.addi %mul3A_6, %add3A_206 : i32
        %mul3A_208 = arith.constant 8192 : i32
        %mul3A_209 = arith.muli %sub3A_205, %mul3A_208 : i32
        %add3A_210 = arith.addi %add3A_207, %mul3A_209 : i32
        %dma_wait3A_211 = arith.constant 8192 : i32
        %dma_wait3A_212 = tpu.memref_slice %arg9[%dma_wait3A_211] : memref<49152xf32, #tpu.memory_space<vmem>> -> memref<8192xf32, #tpu.memory_space<vmem>>
        %dma_wait3A_213 = tpu.memref_slice %arg5[%add3A_210] : memref<25165824xf32, #tpu.memory_space<hbm>> -> memref<8192xf32, #tpu.memory_space<hbm>>
        %dma_wait3A_214 = tpu.memref_slice %arg5[%add3A_210] : memref<25165824xf32, #tpu.memory_space<hbm>> -> memref<8192xf32, #tpu.memory_space<hbm>>
        %dma_wait3A_215 = arith.constant 8192 : i32
        %dma_wait3A_216 = tpu.memref_slice %arg9[%dma_wait3A_215] : memref<49152xf32, #tpu.memory_space<vmem>> -> memref<8192xf32, #tpu.memory_space<vmem>>
        tpu.wait_dma2 semaphore(%arg12 : memref<!tpu.dma_semaphore, #tpu.memory_space<semaphore_mem>>) src(%dma_wait3A_216 : memref<8192xf32, #tpu.memory_space<vmem>>) dst(%dma_wait3A_214 : memref<8192xf32, #tpu.memory_space<hbm>>)
        %sub3A_217 = arith.constant 2 : i32
        %sub3A_218 = arith.subi %mul3A_80, %sub3A_217 : i32
        %add3A_219 = arith.constant 524288 : i32
        %add3A_220 = arith.addi %mul3A_6, %add3A_219 : i32
        %mul3A_221 = arith.constant 8192 : i32
        %mul3A_222 = arith.muli %sub3A_218, %mul3A_221 : i32
        %add3A_223 = arith.addi %add3A_220, %mul3A_222 : i32
        %dma_wait3A_224 = arith.constant 16384 : i32
        %dma_wait3A_225 = tpu.memref_slice %arg9[%dma_wait3A_224] : memref<49152xf32, #tpu.memory_space<vmem>> -> memref<8192xf32, #tpu.memory_space<vmem>>
        %dma_wait3A_226 = tpu.memref_slice %arg5[%add3A_223] : memref<25165824xf32, #tpu.memory_space<hbm>> -> memref<8192xf32, #tpu.memory_space<hbm>>
        %dma_wait3A_227 = tpu.memref_slice %arg5[%add3A_223] : memref<25165824xf32, #tpu.memory_space<hbm>> -> memref<8192xf32, #tpu.memory_space<hbm>>
        %dma_wait3A_228 = arith.constant 16384 : i32
        %dma_wait3A_229 = tpu.memref_slice %arg9[%dma_wait3A_228] : memref<49152xf32, #tpu.memory_space<vmem>> -> memref<8192xf32, #tpu.memory_space<vmem>>
        tpu.wait_dma2 semaphore(%arg12 : memref<!tpu.dma_semaphore, #tpu.memory_space<semaphore_mem>>) src(%dma_wait3A_229 : memref<8192xf32, #tpu.memory_space<vmem>>) dst(%dma_wait3A_227 : memref<8192xf32, #tpu.memory_space<hbm>>)
      } else {
      }
      %parallel_loop3A = arith.constant 0 : i32
      %parallel_loop3A_103 = arith.constant 512 : i32
      %parallel_loop3A_104 = arith.constant 1 : i32
      scf.for %parallel_loop3A_192 = %parallel_loop3A to %parallel_loop3A_103 step %parallel_loop3A_104  : i32 {
        %parallel_loop3A_193 = arith.constant 16 : i32
        %parallel_loop3A_194 = arith.muli %parallel_loop3A_192, %parallel_loop3A_193 : i32
        %parallel_loop3A_195 = arith.constant 0 : i32
        %parallel_loop3A_196 = arith.addi %parallel_loop3A_195, %parallel_loop3A_194 : i32
        %parallel_loop3A_197 = arith.index_cast %parallel_loop3A_196 : i32 to index
        %parallel_loop3A_198 = tpu.vector_load %arg8[%parallel_loop3A_197] {strides = array<i32>} : memref<16384xf32, #tpu.memory_space<vmem>>, vector<16xf32>,
        %parallel_loop3A_199 = arith.constant 2.540000e+02 : f32
        %parallel_loop3A_200 = vector.broadcast %parallel_loop3A_199 : f32 to vector<16xf32>
        %parallel_loop3A_201 = arith.mulf %parallel_loop3A_198, %parallel_loop3A_200 : vector<16xf32>
        %parallel_loop3A_202 = arith.constant 5.000000e-01 : f32
        %parallel_loop3A_203 = vector.broadcast %parallel_loop3A_202 : f32 to vector<16xf32>
        %parallel_loop3A_204 = arith.addf %parallel_loop3A_201, %parallel_loop3A_203 : vector<16xf32>
        %parallel_loop3A_205 = arith.fptosi %parallel_loop3A_204 : vector<16xf32> to vector<16xi32>
        %parallel_loop3A_206 = arith.constant 0 : i32
        %parallel_loop3A_207 = vector.broadcast %parallel_loop3A_206 : i32 to vector<16xi32>
        %parallel_loop3A_208 = arith.maxsi %parallel_loop3A_205, %parallel_loop3A_207 : vector<16xi32>
        %parallel_loop3A_209 = arith.constant 254 : i32
        %parallel_loop3A_210 = vector.broadcast %parallel_loop3A_209 : i32 to vector<16xi32>
        %parallel_loop3A_211 = arith.minsi %parallel_loop3A_208, %parallel_loop3A_210 : vector<16xi32>
        %parallel_loop3A_212 = tpu.vector_load_idx %arg6[%parallel_loop3A_211] : memref<256xf32, #tpu.memory_space<vmem>>[vector<16xi32>], vector<16xf32>,
        %parallel_loop3A_213 = arith.cmpf ogt, %parallel_loop3A_198, %parallel_loop3A_212 : vector<16xf32>
        %parallel_loop3A_214 = arith.constant 1 : i32
        %parallel_loop3A_215 = arith.constant 0 : i32
        %parallel_loop3A_216 = vector.broadcast %parallel_loop3A_214 : i32 to vector<16xi32>
        %parallel_loop3A_217 = vector.broadcast %parallel_loop3A_215 : i32 to vector<16xi32>
        %parallel_loop3A_218 = arith.select %parallel_loop3A_213, %parallel_loop3A_216, %parallel_loop3A_217 : vector<16xi1>, vector<16xi32>
        %parallel_loop3A_219 = arith.addi %parallel_loop3A_211, %parallel_loop3A_218 : vector<16xi32>
        %parallel_loop3A_220 = arith.constant 0 : i32
        %parallel_loop3A_221 = arith.addi %parallel_loop3A_220, %parallel_loop3A_194 : i32
        %parallel_loop3A_222 = tpu.vector_load_idx %arg7[%parallel_loop3A_219] : memref<768xf32, #tpu.memory_space<vmem>>[vector<16xi32>], vector<16xf32>,
        %parallel_loop3A_223 = arith.index_cast %parallel_loop3A_221 : i32 to index
        %parallel_loop3A_224 = tpu.vector_load %arg9[%parallel_loop3A_223] {strides = array<i32>} : memref<49152xf32, #tpu.memory_space<vmem>>, vector<16xf32>,
        tpu.vector_store %arg9[%parallel_loop3A_223], %parallel_loop3A_222 {strides = array<i32>} : memref<49152xf32, #tpu.memory_space<vmem>>, vector<16xf32>,
        %parallel_loop3A_225 = arith.constant 256 : i32
        %parallel_loop3A_226 = vector.broadcast %parallel_loop3A_225 : i32 to vector<16xi32>
        %parallel_loop3A_227 = arith.addi %parallel_loop3A_219, %parallel_loop3A_226 : vector<16xi32>
        %parallel_loop3A_228 = tpu.vector_load_idx %arg7[%parallel_loop3A_227] : memref<768xf32, #tpu.memory_space<vmem>>[vector<16xi32>], vector<16xf32>,
        %parallel_loop3A_229 = arith.constant 8192 : i32
        %parallel_loop3A_230 = arith.addi %parallel_loop3A_221, %parallel_loop3A_229 : i32
        %parallel_loop3A_231 = arith.index_cast %parallel_loop3A_230 : i32 to index
        %parallel_loop3A_232 = tpu.vector_load %arg9[%parallel_loop3A_231] {strides = array<i32>} : memref<49152xf32, #tpu.memory_space<vmem>>, vector<16xf32>,
        tpu.vector_store %arg9[%parallel_loop3A_231], %parallel_loop3A_228 {strides = array<i32>} : memref<49152xf32, #tpu.memory_space<vmem>>, vector<16xf32>,
        %parallel_loop3A_233 = arith.constant 512 : i32
        %parallel_loop3A_234 = vector.broadcast %parallel_loop3A_233 : i32 to vector<16xi32>
        %parallel_loop3A_235 = arith.addi %parallel_loop3A_219, %parallel_loop3A_234 : vector<16xi32>
        %parallel_loop3A_236 = tpu.vector_load_idx %arg7[%parallel_loop3A_235] : memref<768xf32, #tpu.memory_space<vmem>>[vector<16xi32>], vector<16xf32>,
        %parallel_loop3A_237 = arith.constant 16384 : i32
        %parallel_loop3A_238 = arith.addi %parallel_loop3A_221, %parallel_loop3A_237 : i32
        %parallel_loop3A_239 = arith.index_cast %parallel_loop3A_238 : i32 to index
        %parallel_loop3A_240 = tpu.vector_load %arg9[%parallel_loop3A_239] {strides = array<i32>} : memref<49152xf32, #tpu.memory_space<vmem>>, vector<16xf32>,
        tpu.vector_store %arg9[%parallel_loop3A_239], %parallel_loop3A_236 {strides = array<i32>} : memref<49152xf32, #tpu.memory_space<vmem>>, vector<16xf32>,
      } {sc.loop_unroll_factor = 4 : i64, sc.parallel_access}
      %add3A_105 = arith.constant 0 : i32
      %add3A_106 = arith.addi %mul3A_6, %add3A_105 : i32
      %mul3A_107 = arith.constant 8192 : i32
      %mul3A_108 = arith.muli %mul3A_80, %mul3A_107 : i32
      %add3A_109 = arith.addi %add3A_106, %mul3A_108 : i32
      %dma_start3A_110 = arith.constant 0 : i32
      %dma_start3A_111 = tpu.memref_slice %arg9[%dma_start3A_110] : memref<49152xf32, #tpu.memory_space<vmem>> -> memref<8192xf32, #tpu.memory_space<vmem>>
      %dma_start3A_112 = tpu.memref_slice %arg5[%add3A_109] : memref<25165824xf32, #tpu.memory_space<hbm>> -> memref<8192xf32, #tpu.memory_space<hbm>>
      %dma_start3A_113 = tpu.memref_slice %arg5[%add3A_109] : memref<25165824xf32, #tpu.memory_space<hbm>> -> memref<8192xf32, #tpu.memory_space<hbm>>
      %dma_start3A_114 = arith.constant 0 : i32
      %dma_start3A_115 = tpu.memref_slice %arg9[%dma_start3A_114] : memref<49152xf32, #tpu.memory_space<vmem>> -> memref<8192xf32, #tpu.memory_space<vmem>>
      tpu.enqueue_dma source(%dma_start3A_115 : memref<8192xf32, #tpu.memory_space<vmem>>) target(%dma_start3A_113 : memref<8192xf32, #tpu.memory_space<hbm>>) target_semaphore(%arg12 : memref<!tpu.dma_semaphore, #tpu.memory_space<semaphore_mem>>)
      %add3A_116 = arith.constant 262144 : i32
      %add3A_117 = arith.addi %mul3A_6, %add3A_116 : i32
      %mul3A_118 = arith.constant 8192 : i32
      %mul3A_119 = arith.muli %mul3A_80, %mul3A_118 : i32
      %add3A_120 = arith.addi %add3A_117, %mul3A_119 : i32
      %dma_start3A_121 = arith.constant 8192 : i32
      %dma_start3A_122 = tpu.memref_slice %arg9[%dma_start3A_121] : memref<49152xf32, #tpu.memory_space<vmem>> -> memref<8192xf32, #tpu.memory_space<vmem>>
      %dma_start3A_123 = tpu.memref_slice %arg5[%add3A_120] : memref<25165824xf32, #tpu.memory_space<hbm>> -> memref<8192xf32, #tpu.memory_space<hbm>>
      %dma_start3A_124 = tpu.memref_slice %arg5[%add3A_120] : memref<25165824xf32, #tpu.memory_space<hbm>> -> memref<8192xf32, #tpu.memory_space<hbm>>
      %dma_start3A_125 = arith.constant 8192 : i32
      %dma_start3A_126 = tpu.memref_slice %arg9[%dma_start3A_125] : memref<49152xf32, #tpu.memory_space<vmem>> -> memref<8192xf32, #tpu.memory_space<vmem>>
      tpu.enqueue_dma source(%dma_start3A_126 : memref<8192xf32, #tpu.memory_space<vmem>>) target(%dma_start3A_124 : memref<8192xf32, #tpu.memory_space<hbm>>) target_semaphore(%arg12 : memref<!tpu.dma_semaphore, #tpu.memory_space<semaphore_mem>>)
      %add3A_127 = arith.constant 524288 : i32
      %add3A_128 = arith.addi %mul3A_6, %add3A_127 : i32
      %mul3A_129 = arith.constant 8192 : i32
      %mul3A_130 = arith.muli %mul3A_80, %mul3A_129 : i32
      %add3A_131 = arith.addi %add3A_128, %mul3A_130 : i32
      %dma_start3A_132 = arith.constant 16384 : i32
      %dma_start3A_133 = tpu.memref_slice %arg9[%dma_start3A_132] : memref<49152xf32, #tpu.memory_space<vmem>> -> memref<8192xf32, #tpu.memory_space<vmem>>
      %dma_start3A_134 = tpu.memref_slice %arg5[%add3A_131] : memref<25165824xf32, #tpu.memory_space<hbm>> -> memref<8192xf32, #tpu.memory_space<hbm>>
      %dma_start3A_135 = tpu.memref_slice %arg5[%add3A_131] : memref<25165824xf32, #tpu.memory_space<hbm>> -> memref<8192xf32, #tpu.memory_space<hbm>>
      %dma_start3A_136 = arith.constant 16384 : i32
      %dma_start3A_137 = tpu.memref_slice %arg9[%dma_start3A_136] : memref<49152xf32, #tpu.memory_space<vmem>> -> memref<8192xf32, #tpu.memory_space<vmem>>
      tpu.enqueue_dma source(%dma_start3A_137 : memref<8192xf32, #tpu.memory_space<vmem>>) target(%dma_start3A_135 : memref<8192xf32, #tpu.memory_space<hbm>>) target_semaphore(%arg12 : memref<!tpu.dma_semaphore, #tpu.memory_space<semaphore_mem>>)
      %mul3A_138 = arith.constant 8192 : i32
      %mul3A_139 = arith.muli %add3A_82, %mul3A_138 : i32
      %add3A_140 = arith.addi %mul3A_2, %mul3A_139 : i32
      %dma_wait3A_141 = arith.constant 8192 : i32
      %dma_wait3A_142 = tpu.memref_slice %arg8[%dma_wait3A_141] : memref<16384xf32, #tpu.memory_space<vmem>> -> memref<8192xf32, #tpu.memory_space<vmem>>
      %dma_wait3A_143 = tpu.memref_slice %arg2[%add3A_140] : memref<8388608xf32, #tpu.memory_space<hbm>> -> memref<8192xf32, #tpu.memory_space<hbm>>
      %dma_wait3A_144 = arith.constant 8192 : i32
      %dma_wait3A_145 = tpu.memref_slice %arg8[%dma_wait3A_144] : memref<16384xf32, #tpu.memory_space<vmem>> -> memref<8192xf32, #tpu.memory_space<vmem>>
      %dma_wait3A_146 = tpu.memref_slice %arg2[%add3A_140] : memref<8388608xf32, #tpu.memory_space<hbm>> -> memref<8192xf32, #tpu.memory_space<hbm>>
      tpu.wait_dma2 semaphore(%arg11 : memref<!tpu.dma_semaphore, #tpu.memory_space<semaphore_mem>>) src(%dma_wait3A_146 : memref<8192xf32, #tpu.memory_space<hbm>>) dst(%dma_wait3A_145 : memref<8192xf32, #tpu.memory_space<vmem>>)
      %lt3A = arith.constant 15 : i32
      %lt3A_147 = arith.cmpi slt, %scan3A_78, %lt3A : i32
      %convert_element_type3A_148 = arith.extui %lt3A_147 : i1 to i32
      %cond3A_149 = arith.constant 0 : i32
      %cond3A_150 = arith.cmpi ne, %convert_element_type3A_148, %cond3A_149 : i32
      scf.if %cond3A_150 {
        %add3A_192 = arith.constant 2 : i32
        %add3A_193 = arith.addi %mul3A_80, %add3A_192 : i32
        %mul3A_194 = arith.constant 8192 : i32
        %mul3A_195 = arith.muli %add3A_193, %mul3A_194 : i32
        %add3A_196 = arith.addi %mul3A_2, %mul3A_195 : i32
        %dma_start3A_197 = arith.constant 0 : i32
        %dma_start3A_198 = tpu.memref_slice %arg8[%dma_start3A_197] : memref<16384xf32, #tpu.memory_space<vmem>> -> memref<8192xf32, #tpu.memory_space<vmem>>
        %dma_start3A_199 = tpu.memref_slice %arg2[%add3A_196] : memref<8388608xf32, #tpu.memory_space<hbm>> -> memref<8192xf32, #tpu.memory_space<hbm>>
        %dma_start3A_200 = arith.constant 0 : i32
        %dma_start3A_201 = tpu.memref_slice %arg8[%dma_start3A_200] : memref<16384xf32, #tpu.memory_space<vmem>> -> memref<8192xf32, #tpu.memory_space<vmem>>
        %dma_start3A_202 = tpu.memref_slice %arg2[%add3A_196] : memref<8388608xf32, #tpu.memory_space<hbm>> -> memref<8192xf32, #tpu.memory_space<hbm>>
        tpu.enqueue_dma source(%dma_start3A_202 : memref<8192xf32, #tpu.memory_space<hbm>>) target(%dma_start3A_201 : memref<8192xf32, #tpu.memory_space<vmem>>) target_semaphore(%arg10 : memref<!tpu.dma_semaphore, #tpu.memory_space<semaphore_mem>>)
      } else {
      }
      %gt3A_151 = arith.constant 0 : i32
      %gt3A_152 = arith.cmpi sgt, %scan3A_78, %gt3A_151 : i32
      %convert_element_type3A_153 = arith.extui %gt3A_152 : i1 to i32
      %cond3A_154 = arith.constant 0 : i32
      %cond3A_155 = arith.cmpi ne, %convert_element_type3A_153, %cond3A_154 : i32
      scf.if %cond3A_155 {
        %sub3A = arith.constant 2 : i32
        %sub3A_192 = arith.subi %add3A_82, %sub3A : i32
        %add3A_193 = arith.constant 0 : i32
        %add3A_194 = arith.addi %mul3A_6, %add3A_193 : i32
        %mul3A_195 = arith.constant 8192 : i32
        %mul3A_196 = arith.muli %sub3A_192, %mul3A_195 : i32
        %add3A_197 = arith.addi %add3A_194, %mul3A_196 : i32
        %dma_wait3A_198 = arith.constant 24576 : i32
        %dma_wait3A_199 = tpu.memref_slice %arg9[%dma_wait3A_198] : memref<49152xf32, #tpu.memory_space<vmem>> -> memref<8192xf32, #tpu.memory_space<vmem>>
        %dma_wait3A_200 = tpu.memref_slice %arg5[%add3A_197] : memref<25165824xf32, #tpu.memory_space<hbm>> -> memref<8192xf32, #tpu.memory_space<hbm>>
        %dma_wait3A_201 = tpu.memref_slice %arg5[%add3A_197] : memref<25165824xf32, #tpu.memory_space<hbm>> -> memref<8192xf32, #tpu.memory_space<hbm>>
        %dma_wait3A_202 = arith.constant 24576 : i32
        %dma_wait3A_203 = tpu.memref_slice %arg9[%dma_wait3A_202] : memref<49152xf32, #tpu.memory_space<vmem>> -> memref<8192xf32, #tpu.memory_space<vmem>>
        tpu.wait_dma2 semaphore(%arg13 : memref<!tpu.dma_semaphore, #tpu.memory_space<semaphore_mem>>) src(%dma_wait3A_203 : memref<8192xf32, #tpu.memory_space<vmem>>) dst(%dma_wait3A_201 : memref<8192xf32, #tpu.memory_space<hbm>>)
        %sub3A_204 = arith.constant 2 : i32
        %sub3A_205 = arith.subi %add3A_82, %sub3A_204 : i32
        %add3A_206 = arith.constant 262144 : i32
        %add3A_207 = arith.addi %mul3A_6, %add3A_206 : i32
        %mul3A_208 = arith.constant 8192 : i32
        %mul3A_209 = arith.muli %sub3A_205, %mul3A_208 : i32
        %add3A_210 = arith.addi %add3A_207, %mul3A_209 : i32
        %dma_wait3A_211 = arith.constant 32768 : i32
        %dma_wait3A_212 = tpu.memref_slice %arg9[%dma_wait3A_211] : memref<49152xf32, #tpu.memory_space<vmem>> -> memref<8192xf32, #tpu.memory_space<vmem>>
        %dma_wait3A_213 = tpu.memref_slice %arg5[%add3A_210] : memref<25165824xf32, #tpu.memory_space<hbm>> -> memref<8192xf32, #tpu.memory_space<hbm>>
        %dma_wait3A_214 = tpu.memref_slice %arg5[%add3A_210] : memref<25165824xf32, #tpu.memory_space<hbm>> -> memref<8192xf32, #tpu.memory_space<hbm>>
        %dma_wait3A_215 = arith.constant 32768 : i32
        %dma_wait3A_216 = tpu.memref_slice %arg9[%dma_wait3A_215] : memref<49152xf32, #tpu.memory_space<vmem>> -> memref<8192xf32, #tpu.memory_space<vmem>>
        tpu.wait_dma2 semaphore(%arg13 : memref<!tpu.dma_semaphore, #tpu.memory_space<semaphore_mem>>) src(%dma_wait3A_216 : memref<8192xf32, #tpu.memory_space<vmem>>) dst(%dma_wait3A_214 : memref<8192xf32, #tpu.memory_space<hbm>>)
        %sub3A_217 = arith.constant 2 : i32
        %sub3A_218 = arith.subi %add3A_82, %sub3A_217 : i32
        %add3A_219 = arith.constant 524288 : i32
        %add3A_220 = arith.addi %mul3A_6, %add3A_219 : i32
        %mul3A_221 = arith.constant 8192 : i32
        %mul3A_222 = arith.muli %sub3A_218, %mul3A_221 : i32
        %add3A_223 = arith.addi %add3A_220, %mul3A_222 : i32
        %dma_wait3A_224 = arith.constant 40960 : i32
        %dma_wait3A_225 = tpu.memref_slice %arg9[%dma_wait3A_224] : memref<49152xf32, #tpu.memory_space<vmem>> -> memref<8192xf32, #tpu.memory_space<vmem>>
        %dma_wait3A_226 = tpu.memref_slice %arg5[%add3A_223] : memref<25165824xf32, #tpu.memory_space<hbm>> -> memref<8192xf32, #tpu.memory_space<hbm>>
        %dma_wait3A_227 = tpu.memref_slice %arg5[%add3A_223] : memref<25165824xf32, #tpu.memory_space<hbm>> -> memref<8192xf32, #tpu.memory_space<hbm>>
        %dma_wait3A_228 = arith.constant 40960 : i32
        %dma_wait3A_229 = tpu.memref_slice %arg9[%dma_wait3A_228] : memref<49152xf32, #tpu.memory_space<vmem>> -> memref<8192xf32, #tpu.memory_space<vmem>>
        tpu.wait_dma2 semaphore(%arg13 : memref<!tpu.dma_semaphore, #tpu.memory_space<semaphore_mem>>) src(%dma_wait3A_229 : memref<8192xf32, #tpu.memory_space<vmem>>) dst(%dma_wait3A_227 : memref<8192xf32, #tpu.memory_space<hbm>>)
      } else {
      }
      %parallel_loop3A_156 = arith.constant 0 : i32
      %parallel_loop3A_157 = arith.constant 512 : i32
      %parallel_loop3A_158 = arith.constant 1 : i32
      scf.for %parallel_loop3A_192 = %parallel_loop3A_156 to %parallel_loop3A_157 step %parallel_loop3A_158  : i32 {
        %parallel_loop3A_193 = arith.constant 16 : i32
        %parallel_loop3A_194 = arith.muli %parallel_loop3A_192, %parallel_loop3A_193 : i32
        %parallel_loop3A_195 = arith.constant 8192 : i32
        %parallel_loop3A_196 = arith.addi %parallel_loop3A_195, %parallel_loop3A_194 : i32
        %parallel_loop3A_197 = arith.index_cast %parallel_loop3A_196 : i32 to index
        %parallel_loop3A_198 = tpu.vector_load %arg8[%parallel_loop3A_197] {strides = array<i32>} : memref<16384xf32, #tpu.memory_space<vmem>>, vector<16xf32>,
        %parallel_loop3A_199 = arith.constant 2.540000e+02 : f32
        %parallel_loop3A_200 = vector.broadcast %parallel_loop3A_199 : f32 to vector<16xf32>
        %parallel_loop3A_201 = arith.mulf %parallel_loop3A_198, %parallel_loop3A_200 : vector<16xf32>
        %parallel_loop3A_202 = arith.constant 5.000000e-01 : f32
        %parallel_loop3A_203 = vector.broadcast %parallel_loop3A_202 : f32 to vector<16xf32>
        %parallel_loop3A_204 = arith.addf %parallel_loop3A_201, %parallel_loop3A_203 : vector<16xf32>
        %parallel_loop3A_205 = arith.fptosi %parallel_loop3A_204 : vector<16xf32> to vector<16xi32>
        %parallel_loop3A_206 = arith.constant 0 : i32
        %parallel_loop3A_207 = vector.broadcast %parallel_loop3A_206 : i32 to vector<16xi32>
        %parallel_loop3A_208 = arith.maxsi %parallel_loop3A_205, %parallel_loop3A_207 : vector<16xi32>
        %parallel_loop3A_209 = arith.constant 254 : i32
        %parallel_loop3A_210 = vector.broadcast %parallel_loop3A_209 : i32 to vector<16xi32>
        %parallel_loop3A_211 = arith.minsi %parallel_loop3A_208, %parallel_loop3A_210 : vector<16xi32>
        %parallel_loop3A_212 = tpu.vector_load_idx %arg6[%parallel_loop3A_211] : memref<256xf32, #tpu.memory_space<vmem>>[vector<16xi32>], vector<16xf32>,
        %parallel_loop3A_213 = arith.cmpf ogt, %parallel_loop3A_198, %parallel_loop3A_212 : vector<16xf32>
        %parallel_loop3A_214 = arith.constant 1 : i32
        %parallel_loop3A_215 = arith.constant 0 : i32
        %parallel_loop3A_216 = vector.broadcast %parallel_loop3A_214 : i32 to vector<16xi32>
        %parallel_loop3A_217 = vector.broadcast %parallel_loop3A_215 : i32 to vector<16xi32>
        %parallel_loop3A_218 = arith.select %parallel_loop3A_213, %parallel_loop3A_216, %parallel_loop3A_217 : vector<16xi1>, vector<16xi32>
        %parallel_loop3A_219 = arith.addi %parallel_loop3A_211, %parallel_loop3A_218 : vector<16xi32>
        %parallel_loop3A_220 = arith.constant 24576 : i32
        %parallel_loop3A_221 = arith.addi %parallel_loop3A_220, %parallel_loop3A_194 : i32
        %parallel_loop3A_222 = tpu.vector_load_idx %arg7[%parallel_loop3A_219] : memref<768xf32, #tpu.memory_space<vmem>>[vector<16xi32>], vector<16xf32>,
        %parallel_loop3A_223 = arith.index_cast %parallel_loop3A_221 : i32 to index
        %parallel_loop3A_224 = tpu.vector_load %arg9[%parallel_loop3A_223] {strides = array<i32>} : memref<49152xf32, #tpu.memory_space<vmem>>, vector<16xf32>,
        tpu.vector_store %arg9[%parallel_loop3A_223], %parallel_loop3A_222 {strides = array<i32>} : memref<49152xf32, #tpu.memory_space<vmem>>, vector<16xf32>,
        %parallel_loop3A_225 = arith.constant 256 : i32
        %parallel_loop3A_226 = vector.broadcast %parallel_loop3A_225 : i32 to vector<16xi32>
        %parallel_loop3A_227 = arith.addi %parallel_loop3A_219, %parallel_loop3A_226 : vector<16xi32>
        %parallel_loop3A_228 = tpu.vector_load_idx %arg7[%parallel_loop3A_227] : memref<768xf32, #tpu.memory_space<vmem>>[vector<16xi32>], vector<16xf32>,
        %parallel_loop3A_229 = arith.constant 8192 : i32
        %parallel_loop3A_230 = arith.addi %parallel_loop3A_221, %parallel_loop3A_229 : i32
        %parallel_loop3A_231 = arith.index_cast %parallel_loop3A_230 : i32 to index
        %parallel_loop3A_232 = tpu.vector_load %arg9[%parallel_loop3A_231] {strides = array<i32>} : memref<49152xf32, #tpu.memory_space<vmem>>, vector<16xf32>,
        tpu.vector_store %arg9[%parallel_loop3A_231], %parallel_loop3A_228 {strides = array<i32>} : memref<49152xf32, #tpu.memory_space<vmem>>, vector<16xf32>,
        %parallel_loop3A_233 = arith.constant 512 : i32
        %parallel_loop3A_234 = vector.broadcast %parallel_loop3A_233 : i32 to vector<16xi32>
        %parallel_loop3A_235 = arith.addi %parallel_loop3A_219, %parallel_loop3A_234 : vector<16xi32>
        %parallel_loop3A_236 = tpu.vector_load_idx %arg7[%parallel_loop3A_235] : memref<768xf32, #tpu.memory_space<vmem>>[vector<16xi32>], vector<16xf32>,
        %parallel_loop3A_237 = arith.constant 16384 : i32
        %parallel_loop3A_238 = arith.addi %parallel_loop3A_221, %parallel_loop3A_237 : i32
        %parallel_loop3A_239 = arith.index_cast %parallel_loop3A_238 : i32 to index
        %parallel_loop3A_240 = tpu.vector_load %arg9[%parallel_loop3A_239] {strides = array<i32>} : memref<49152xf32, #tpu.memory_space<vmem>>, vector<16xf32>,
        tpu.vector_store %arg9[%parallel_loop3A_239], %parallel_loop3A_236 {strides = array<i32>} : memref<49152xf32, #tpu.memory_space<vmem>>, vector<16xf32>,
      } {sc.loop_unroll_factor = 4 : i64, sc.parallel_access}
      %add3A_159 = arith.constant 0 : i32
      %add3A_160 = arith.addi %mul3A_6, %add3A_159 : i32
      %mul3A_161 = arith.constant 8192 : i32
      %mul3A_162 = arith.muli %add3A_82, %mul3A_161 : i32
      %add3A_163 = arith.addi %add3A_160, %mul3A_162 : i32
      %dma_start3A_164 = arith.constant 24576 : i32
      %dma_start3A_165 = tpu.memref_slice %arg9[%dma_start3A_164] : memref<49152xf32, #tpu.memory_space<vmem>> -> memref<8192xf32, #tpu.memory_space<vmem>>
      %dma_start3A_166 = tpu.memref_slice %arg5[%add3A_163] : memref<25165824xf32, #tpu.memory_space<hbm>> -> memref<8192xf32, #tpu.memory_space<hbm>>
      %dma_start3A_167 = tpu.memref_slice %arg5[%add3A_163] : memref<25165824xf32, #tpu.memory_space<hbm>> -> memref<8192xf32, #tpu.memory_space<hbm>>
      %dma_start3A_168 = arith.constant 24576 : i32
      %dma_start3A_169 = tpu.memref_slice %arg9[%dma_start3A_168] : memref<49152xf32, #tpu.memory_space<vmem>> -> memref<8192xf32, #tpu.memory_space<vmem>>
      tpu.enqueue_dma source(%dma_start3A_169 : memref<8192xf32, #tpu.memory_space<vmem>>) target(%dma_start3A_167 : memref<8192xf32, #tpu.memory_space<hbm>>) target_semaphore(%arg13 : memref<!tpu.dma_semaphore, #tpu.memory_space<semaphore_mem>>)
      %add3A_170 = arith.constant 262144 : i32
      %add3A_171 = arith.addi %mul3A_6, %add3A_170 : i32
      %mul3A_172 = arith.constant 8192 : i32
      %mul3A_173 = arith.muli %add3A_82, %mul3A_172 : i32
      %add3A_174 = arith.addi %add3A_171, %mul3A_173 : i32
      %dma_start3A_175 = arith.constant 32768 : i32
      %dma_start3A_176 = tpu.memref_slice %arg9[%dma_start3A_175] : memref<49152xf32, #tpu.memory_space<vmem>> -> memref<8192xf32, #tpu.memory_space<vmem>>
      %dma_start3A_177 = tpu.memref_slice %arg5[%add3A_174] : memref<25165824xf32, #tpu.memory_space<hbm>> -> memref<8192xf32, #tpu.memory_space<hbm>>
      %dma_start3A_178 = tpu.memref_slice %arg5[%add3A_174] : memref<25165824xf32, #tpu.memory_space<hbm>> -> memref<8192xf32, #tpu.memory_space<hbm>>
      %dma_start3A_179 = arith.constant 32768 : i32
      %dma_start3A_180 = tpu.memref_slice %arg9[%dma_start3A_179] : memref<49152xf32, #tpu.memory_space<vmem>> -> memref<8192xf32, #tpu.memory_space<vmem>>
      tpu.enqueue_dma source(%dma_start3A_180 : memref<8192xf32, #tpu.memory_space<vmem>>) target(%dma_start3A_178 : memref<8192xf32, #tpu.memory_space<hbm>>) target_semaphore(%arg13 : memref<!tpu.dma_semaphore, #tpu.memory_space<semaphore_mem>>)
      %add3A_181 = arith.constant 524288 : i32
      %add3A_182 = arith.addi %mul3A_6, %add3A_181 : i32
      %mul3A_183 = arith.constant 8192 : i32
      %mul3A_184 = arith.muli %add3A_82, %mul3A_183 : i32
      %add3A_185 = arith.addi %add3A_182, %mul3A_184 : i32
      %dma_start3A_186 = arith.constant 40960 : i32
      %dma_start3A_187 = tpu.memref_slice %arg9[%dma_start3A_186] : memref<49152xf32, #tpu.memory_space<vmem>> -> memref<8192xf32, #tpu.memory_space<vmem>>
      %dma_start3A_188 = tpu.memref_slice %arg5[%add3A_185] : memref<25165824xf32, #tpu.memory_space<hbm>> -> memref<8192xf32, #tpu.memory_space<hbm>>
      %dma_start3A_189 = tpu.memref_slice %arg5[%add3A_185] : memref<25165824xf32, #tpu.memory_space<hbm>> -> memref<8192xf32, #tpu.memory_space<hbm>>
      %dma_start3A_190 = arith.constant 40960 : i32
      %dma_start3A_191 = tpu.memref_slice %arg9[%dma_start3A_190] : memref<49152xf32, #tpu.memory_space<vmem>> -> memref<8192xf32, #tpu.memory_space<vmem>>
      tpu.enqueue_dma source(%dma_start3A_191 : memref<8192xf32, #tpu.memory_space<vmem>>) target(%dma_start3A_189 : memref<8192xf32, #tpu.memory_space<hbm>>) target_semaphore(%arg13 : memref<!tpu.dma_semaphore, #tpu.memory_space<semaphore_mem>>)
    }
    %scan3A_18 = arith.constant 16 : i32
    %add3A_19 = arith.constant 0 : i32
    %add3A_20 = arith.addi %mul3A_6, %add3A_19 : i32
    %add3A_21 = arith.constant 245760 : i32
    %add3A_22 = arith.addi %add3A_20, %add3A_21 : i32
    %dma_wait3A = arith.constant 0 : i32
    %dma_wait3A_23 = tpu.memref_slice %arg9[%dma_wait3A] : memref<49152xf32, #tpu.memory_space<vmem>> -> memref<8192xf32, #tpu.memory_space<vmem>>
    %dma_wait3A_24 = tpu.memref_slice %arg5[%add3A_22] : memref<25165824xf32, #tpu.memory_space<hbm>> -> memref<8192xf32, #tpu.memory_space<hbm>>
    %dma_wait3A_25 = tpu.memref_slice %arg5[%add3A_22] : memref<25165824xf32, #tpu.memory_space<hbm>> -> memref<8192xf32, #tpu.memory_space<hbm>>
    %dma_wait3A_26 = arith.constant 0 : i32
    %dma_wait3A_27 = tpu.memref_slice %arg9[%dma_wait3A_26] : memref<49152xf32, #tpu.memory_space<vmem>> -> memref<8192xf32, #tpu.memory_space<vmem>>
    tpu.wait_dma2 semaphore(%arg12 : memref<!tpu.dma_semaphore, #tpu.memory_space<semaphore_mem>>) src(%dma_wait3A_27 : memref<8192xf32, #tpu.memory_space<vmem>>) dst(%dma_wait3A_25 : memref<8192xf32, #tpu.memory_space<hbm>>)
    %add3A_28 = arith.constant 262144 : i32
    %add3A_29 = arith.addi %mul3A_6, %add3A_28 : i32
    %add3A_30 = arith.constant 245760 : i32
    %add3A_31 = arith.addi %add3A_29, %add3A_30 : i32
    %dma_wait3A_32 = arith.constant 8192 : i32
    %dma_wait3A_33 = tpu.memref_slice %arg9[%dma_wait3A_32] : memref<49152xf32, #tpu.memory_space<vmem>> -> memref<8192xf32, #tpu.memory_space<vmem>>
    %dma_wait3A_34 = tpu.memref_slice %arg5[%add3A_31] : memref<25165824xf32, #tpu.memory_space<hbm>> -> memref<8192xf32, #tpu.memory_space<hbm>>
    %dma_wait3A_35 = tpu.memref_slice %arg5[%add3A_31] : memref<25165824xf32, #tpu.memory_space<hbm>> -> memref<8192xf32, #tpu.memory_space<hbm>>
    %dma_wait3A_36 = arith.constant 8192 : i32
    %dma_wait3A_37 = tpu.memref_slice %arg9[%dma_wait3A_36] : memref<49152xf32, #tpu.memory_space<vmem>> -> memref<8192xf32, #tpu.memory_space<vmem>>
    tpu.wait_dma2 semaphore(%arg12 : memref<!tpu.dma_semaphore, #tpu.memory_space<semaphore_mem>>) src(%dma_wait3A_37 : memref<8192xf32, #tpu.memory_space<vmem>>) dst(%dma_wait3A_35 : memref<8192xf32, #tpu.memory_space<hbm>>)
    %add3A_38 = arith.constant 524288 : i32
    %add3A_39 = arith.addi %mul3A_6, %add3A_38 : i32
    %add3A_40 = arith.constant 245760 : i32
    %add3A_41 = arith.addi %add3A_39, %add3A_40 : i32
    %dma_wait3A_42 = arith.constant 16384 : i32
    %dma_wait3A_43 = tpu.memref_slice %arg9[%dma_wait3A_42] : memref<49152xf32, #tpu.memory_space<vmem>> -> memref<8192xf32, #tpu.memory_space<vmem>>
    %dma_wait3A_44 = tpu.memref_slice %arg5[%add3A_41] : memref<25165824xf32, #tpu.memory_space<hbm>> -> memref<8192xf32, #tpu.memory_space<hbm>>
    %dma_wait3A_45 = tpu.memref_slice %arg5[%add3A_41] : memref<25165824xf32, #tpu.memory_space<hbm>> -> memref<8192xf32, #tpu.memory_space<hbm>>
    %dma_wait3A_46 = arith.constant 16384 : i32
    %dma_wait3A_47 = tpu.memref_slice %arg9[%dma_wait3A_46] : memref<49152xf32, #tpu.memory_space<vmem>> -> memref<8192xf32, #tpu.memory_space<vmem>>
    tpu.wait_dma2 semaphore(%arg12 : memref<!tpu.dma_semaphore, #tpu.memory_space<semaphore_mem>>) src(%dma_wait3A_47 : memref<8192xf32, #tpu.memory_space<vmem>>) dst(%dma_wait3A_45 : memref<8192xf32, #tpu.memory_space<hbm>>)
    %add3A_48 = arith.constant 0 : i32
    %add3A_49 = arith.addi %mul3A_6, %add3A_48 : i32
    %add3A_50 = arith.constant 253952 : i32
    %add3A_51 = arith.addi %add3A_49, %add3A_50 : i32
    %dma_wait3A_52 = arith.constant 24576 : i32
    %dma_wait3A_53 = tpu.memref_slice %arg9[%dma_wait3A_52] : memref<49152xf32, #tpu.memory_space<vmem>> -> memref<8192xf32, #tpu.memory_space<vmem>>
    %dma_wait3A_54 = tpu.memref_slice %arg5[%add3A_51] : memref<25165824xf32, #tpu.memory_space<hbm>> -> memref<8192xf32, #tpu.memory_space<hbm>>
    %dma_wait3A_55 = tpu.memref_slice %arg5[%add3A_51] : memref<25165824xf32, #tpu.memory_space<hbm>> -> memref<8192xf32, #tpu.memory_space<hbm>>
    %dma_wait3A_56 = arith.constant 24576 : i32
    %dma_wait3A_57 = tpu.memref_slice %arg9[%dma_wait3A_56] : memref<49152xf32, #tpu.memory_space<vmem>> -> memref<8192xf32, #tpu.memory_space<vmem>>
    tpu.wait_dma2 semaphore(%arg13 : memref<!tpu.dma_semaphore, #tpu.memory_space<semaphore_mem>>) src(%dma_wait3A_57 : memref<8192xf32, #tpu.memory_space<vmem>>) dst(%dma_wait3A_55 : memref<8192xf32, #tpu.memory_space<hbm>>)
    %add3A_58 = arith.constant 262144 : i32
    %add3A_59 = arith.addi %mul3A_6, %add3A_58 : i32
    %add3A_60 = arith.constant 253952 : i32
    %add3A_61 = arith.addi %add3A_59, %add3A_60 : i32
    %dma_wait3A_62 = arith.constant 32768 : i32
    %dma_wait3A_63 = tpu.memref_slice %arg9[%dma_wait3A_62] : memref<49152xf32, #tpu.memory_space<vmem>> -> memref<8192xf32, #tpu.memory_space<vmem>>
    %dma_wait3A_64 = tpu.memref_slice %arg5[%add3A_61] : memref<25165824xf32, #tpu.memory_space<hbm>> -> memref<8192xf32, #tpu.memory_space<hbm>>
    %dma_wait3A_65 = tpu.memref_slice %arg5[%add3A_61] : memref<25165824xf32, #tpu.memory_space<hbm>> -> memref<8192xf32, #tpu.memory_space<hbm>>
    %dma_wait3A_66 = arith.constant 32768 : i32
    %dma_wait3A_67 = tpu.memref_slice %arg9[%dma_wait3A_66] : memref<49152xf32, #tpu.memory_space<vmem>> -> memref<8192xf32, #tpu.memory_space<vmem>>
    tpu.wait_dma2 semaphore(%arg13 : memref<!tpu.dma_semaphore, #tpu.memory_space<semaphore_mem>>) src(%dma_wait3A_67 : memref<8192xf32, #tpu.memory_space<vmem>>) dst(%dma_wait3A_65 : memref<8192xf32, #tpu.memory_space<hbm>>)
    %add3A_68 = arith.constant 524288 : i32
    %add3A_69 = arith.addi %mul3A_6, %add3A_68 : i32
    %add3A_70 = arith.constant 253952 : i32
    %add3A_71 = arith.addi %add3A_69, %add3A_70 : i32
    %dma_wait3A_72 = arith.constant 40960 : i32
    %dma_wait3A_73 = tpu.memref_slice %arg9[%dma_wait3A_72] : memref<49152xf32, #tpu.memory_space<vmem>> -> memref<8192xf32, #tpu.memory_space<vmem>>
    %dma_wait3A_74 = tpu.memref_slice %arg5[%add3A_71] : memref<25165824xf32, #tpu.memory_space<hbm>> -> memref<8192xf32, #tpu.memory_space<hbm>>
    %dma_wait3A_75 = tpu.memref_slice %arg5[%add3A_71] : memref<25165824xf32, #tpu.memory_space<hbm>> -> memref<8192xf32, #tpu.memory_space<hbm>>
    %dma_wait3A_76 = arith.constant 40960 : i32
    %dma_wait3A_77 = tpu.memref_slice %arg9[%dma_wait3A_76] : memref<49152xf32, #tpu.memory_space<vmem>> -> memref<8192xf32, #tpu.memory_space<vmem>>
    tpu.wait_dma2 semaphore(%arg13 : memref<!tpu.dma_semaphore, #tpu.memory_space<semaphore_mem>>) src(%dma_wait3A_77 : memref<8192xf32, #tpu.memory_space<vmem>>) dst(%dma_wait3A_75 : memref<8192xf32, #tpu.memory_space<hbm>>)
    return
  }
}

</mosaic_0001>

<sc_bundles>
// kernel: kernel.3.cloned.1.call-start
scs
__scs_entry_jumppad:
0x0: {  	(pc) =	sbr.rel $0x88, $3  }
0x1: {  	(tag) =	ssettag $0x0;
	lr =	simm.s32 $0x1  }
0x2: {  	[smem:$0x3F9F] =	sst lr;
	_ =	strace $0xD0000000  }
0x3: {  	_ = 	snop  }
0x4: {  	_ = 	snop  }
0x5: {  	_ = 	snop  }
0x6: {  	_ = 	snop  }
0x7: {  	_ = 	snop  }
__scs_overlays_trampoline_lowered:
0x8: {  	[smem:$0x3FAE] =	sst s0  }
0x9: {  	[smem:$0x3FAF] =	sst s1  }
0xa: {  	[smem:$0x3FB0] =	sst s2  }
0xb: {  	[smem:$0x3FB1] =	sst s3  }
0xc: {  	[smem:$0x3FB2] =	sst s4  }
0xd: {  	[smem:$0x3FB3] =	sst s5  }
0xe: {  	[smem:$0x3FB4] =	sst s6  }
0xf: {  	[smem:$0x3FB5] =	sst s7  }
0x10: {  	[smem:$0x3FB6] =	sst s8  }
0x11: {  	[smem:$0x3FB7] =	sst s9;
	s0 =	simm.s32 @!p0 $0x0  }
0x12: {  	s1 =	sld [smem:$0x3F9D];
	s0 =	simm.s32 @p0 $0x1  }
0x13: {  	[smem:$0x3FB8] =	sst s0;
	s0 =	simm.s32 @!p1 $0x0  }
0x14: {  	s2 =	sld [smem:$0x3F9C];
	s0 =	simm.s32 @p1 $0x1  }
0x15: {  	[smem:$0x3FB9] =	sst s0;
	s0 =	simm.s32 @!p2 $0x0  }
0x16: {  	s3 =	sld [smem:$0x3FDB];
	s0 =	simm.s32 @p2 $0x1  }
0x17: {  	s4 =	simm.s32 $0x1BF5;
	[smem:$0x3FBB] =	sst s0  }
0x18: {  	s0 =	sld [smem:$0x3F9E];
	_ =	swait.ge [sflag:s4], $0x0  }
0x19: {  	s7 =	sld [smem:$0x3F9F]  }
0x1a: {  	s8 =	sadd.s32 $0xFFFFE003, lr  }
0x1b: {  	s9 =	sadd.s32 $0xFFFFFEF7, lr;
	s5 =	simm.s32 $0xFFFFFFFF;
	p2 =	slt.u32 s8, $0xFFFFF086  }
0x1c: {  	p1 =	slt.u32 s9, $0xF7A;
	s5 =	simm.s32 @!p2 $0x0  }
0x1d: {  	s5 =	simm.s32 @p1 $0x1;
	p0 =	seq.s32 s7, s2  }
0x1e: {  	s7 =	smul.u32 @!p0 $0xF7A, s2;
	p2 =	seq.s32 @!p0 s5, $0x0  }
0x1f: {  	s9 =	smul.u32 $0xF7A, s1;
	s8 =	simm.s32 @!p0 $0x1BF5;
	p2 =	por !p2, p0  }
0x20: {  	[sflag:s8] =	ssyncset.s32 @!p0 $0xFFFFF086;
	s6 =	sadd.s32 @!p0 s3, s7;
	s7 =	simm.s32 @!p0 $0x108  }
0x21: {  	s3 =	sadd.s32 s3, s9;
	s6 =	sadd.s32 @!p0 $0x88, s6;
	s7 =	simm.s32 @p2 $0x1082  }
0x22: {  	[simem:s7], [sflag:s8] =	dma.local @!p0 [hbm:s6], $0xF7A  }
0x23: {  	s9 =	sor.u32 $0xD0000000, s2;
	s6 =	simm.s32 $0x108;
	_ =	swait.ge @!p0 [sflag:s8], $0x0  }
0x24: {  	s3 =	sadd.s32 $0x88, s3;
	s6 =	simm.s32 @!p1 $0x1082;
	[sflag:s4] =	ssyncset.s32 $0xFFFFF086  }
0x25: {  	[simem:s6], [sflag:s4] =	dma.local [hbm:s3], $0xF7A  }
0x26: {  	[smem:$0x3F9F] =	sst s1;
	(tag) =	ssettag s2;
	_ =	strace s9  }
0x27: {  	s1 =	sld [smem:$0x3FAF]  }
0x28: {  	s2 =	sld [smem:$0x3FB0]  }
0x29: {  	s4 =	sld [smem:$0x3FB2]  }
0x2a: {  	p0 =	seq.s32 s5, $0x0;
	s5 =	sld [smem:$0x3FB3]  }
0x2b: {  	s6 =	sld [smem:$0x3FB4]  }
0x2c: {  	s7 =	sld [smem:$0x3FB5]  }
0x2d: {  	s3 =	simm.s32 $0x108;
	s8 =	sld [smem:$0x3FB6]  }
0x2e: {  	s3 =	simm.s32 @!p0 $0x1082;
	s9 =	sld [smem:$0x3FB7]  }
0x2f: {  	lr =	sadd.s32 s0, s3;
	s0 =	sld [smem:$0x3FAE]  }
0x30: {  	s3 =	sld [smem:$0x3FB1]  }
0x31: {  	[smem:$0x3FBA] =	sst s10  }
0x32: {  	s10 =	sld [smem:$0x3FB8];
	_ =	sdelay $0x3  }
0x33: {  	p0 =	seq.s32 s10, $0x1;
	s10 =	sld [smem:$0x3FBA];
	_ =	sdelay $0x3  }
0x34: {  	[smem:$0x3FBA] =	sst s10  }
0x35: {  	s10 =	sld [smem:$0x3FB9];
	_ =	sdelay $0x3  }
0x36: {  	p1 =	seq.s32 s10, $0x1;
	s10 =	sld [smem:$0x3FBA];
	_ =	sdelay $0x3  }
0x37: {  	[smem:$0x3FBA] =	sst s10  }
0x38: {  	s10 =	sld [smem:$0x3FBB]  }
0x39: {  	_ = 	snop;
	(pc) =	sbr.ind lr, $3  }
0x3a: {  	_ = 	snop  }
0x3b: {  	_ = 	snop  }
0x3c: {  	p2 =	seq.s32 s10, $0x1;
	s10 =	sld [smem:$0x3FBA]  }
0x3d: {  	_ =	shalt  }
0x3e: {  	_ =	shalt  }
0x3f: {  	_ =	shalt  }
0x40: {  	_ =	shalt  }
0x41: {  	_ =	shalt  }
0x42: {  	_ =	shalt  }
0x43: {  	_ =	shalt  }
0x44: {  	_ =	shalt  }
0x45: {  	_ =	shalt  }
0x46: {  	_ =	shalt  }
0x47: {  	_ =	shalt  }
0x48: {  	_ =	shalt  }
0x49: {  	_ =	shalt  }
0x4a: {  	_ =	shalt  }
0x4b: {  	_ =	shalt  }
0x4c: {  	_ =	shalt  }
0x4d: {  	_ =	shalt  }
0x4e: {  	_ =	shalt  }
0x4f: {  	_ =	shalt  }
0x50: {  	_ =	shalt  }
0x51: {  	_ =	shalt  }
0x52: {  	_ =	shalt  }
0x53: {  	_ =	shalt  }
0x54: {  	_ =	shalt  }
0x55: {  	_ =	shalt  }
0x56: {  	_ =	shalt  }
0x57: {  	_ =	shalt  }
0x58: {  	_ =	shalt  }
0x59: {  	_ =	shalt  }
0x5a: {  	_ =	shalt  }
0x5b: {  	_ =	shalt  }
0x5c: {  	_ =	shalt  }
0x5d: {  	_ =	shalt  }
0x5e: {  	_ =	shalt  }
0x5f: {  	_ =	shalt  }
0x60: {  	_ =	shalt  }
0x61: {  	_ =	shalt  }
0x62: {  	_ =	shalt  }
0x63: {  	_ =	shalt  }
0x64: {  	_ =	shalt  }
0x65: {  	_ =	shalt  }
0x66: {  	_ =	shalt  }
0x67: {  	_ =	shalt  }
0x68: {  	_ =	shalt  }
0x69: {  	_ =	shalt  }
0x6a: {  	_ =	shalt  }
0x6b: {  	_ =	shalt  }
0x6c: {  	_ =	shalt  }
0x6d: {  	_ =	shalt  }
0x6e: {  	_ =	shalt  }
0x6f: {  	_ =	shalt  }
0x70: {  	_ =	shalt  }
0x71: {  	_ =	shalt  }
0x72: {  	_ =	shalt  }
0x73: {  	_ =	shalt  }
0x74: {  	_ =	shalt  }
0x75: {  	_ =	shalt  }
0x76: {  	_ =	shalt  }
0x77: {  	_ =	shalt  }
0x78: {  	_ =	shalt  }
0x79: {  	_ =	shalt  }
0x7a: {  	_ =	shalt  }
0x7b: {  	_ =	shalt  }
0x7c: {  	_ =	shalt  }
0x7d: {  	_ =	shalt  }
0x7e: {  	_ =	shalt  }
0x7f: {  	_ =	shalt  }
0x80: {  	_ =	shalt  }
0x81: {  	_ =	shalt  }
0x82: {  	_ =	shalt  }
0x83: {  	_ =	shalt  }
0x84: {  	_ =	shalt  }
0x85: {  	_ =	shalt  }
0x86: {  	_ =	shalt  }
0x87: {  	_ =	shalt  }
.Lfunc_end0:
.L_simem_size_0:
called_computation.1_lowered:
.L_overlay_start_0:
0x88: {  	s2 =	sld [smem:$0x3FD9]  }
0x89: {  	s3 =	sld [smem:$0x3FFE];
	_ =	sdelay $0x1  }
0x8a: {  	s1 =	srdreg.scid  }
0x8b: {  	s0 =	sand.u32 $0x1, s1  }
0x8c: {  	s17 =	sshll.u32 s0, $0xA;
	s2 =	sadd.s32 s3, s2  }
0x8d: {  	s2 =	sadd.s32 s2, s17  }
0x8e: {  	[smem:$0x3FC6] =	sst s2  }
0x8f: {  	_ = 	snop  }
0x90: {  	s2 =	sld [smem:$0x3FD0];
	(tm) =	ssettm $0x1  }
0x91: {  	s18 =	sld [smem:$0x3FFB];
	_ =	sdelay $0x3  }
0x92: {  	_ =	strace s18  }
0x93: {  	s3 =	sld [smem:$0x3FFC];
	_ =	sdelay $0x3  }
0x94: {  	_ =	strace s3  }
0x95: {  	s3 =	sld [smem:$0x3FFD];
	_ =	sdelay $0x3  }
0x96: {  	_ =	strace s3  }
0x97: {  	_ =	strace $0x8FFFFFFF  }
0x98: {  	s19 =	sld [smem:$0x3FDB];
	_ =	sdelay $0x1  }
0x99: {  	s4 =	simm.s32 $_scs_section_size  }
0x9a: {  	s5 =	simm.s32 $_size__tile_overlayer_lowered;
	s6 =	simm.s32 $_tile_overlayer_lowered  }
0x9b: {  	s22 =	simm.s32 $0x1BFF;
	s21 =	sshll.u32 s6, $0x1;
	s3 =	sadd.s32 s4, s19  }
0x9c: {  	s7 =	simm.s32 $0x0;
	s20 =	sshll.u32 s5, $0x1;
	s5 =	sadd.s32 s21, s3  }
0x9d: {  	[timem:s7], [sflag:s22] =	dma.local [hbm:s5], s20  }
0x9e: {  	_ =	swait.ge [sflag:s22], s20  }
0x9f: {  	s4 =	ssub.s32 $0x0, s20;
	[sflag:s22] =	ssyncset.done $0x0  }
0xa0: {  	[sflag:s22] =	ssyncadd.s32 s4;
	_ =	sdelay $0x1  }
0xa1: {  	s23 =	simm.s32 $0x1B8B  }
0xa2: {  	_ =	swait.ge [sflag:s23], $0x1  }
0xa3: {  	[sflag:s23] =	ssyncset.done $0x0  }
0xa4: {  	s25 =	simm.s32 $0x1B8E;
	s24 =	sld [smem:$0x3FFE];
	[sflag:s23] =	ssyncadd.s32 $0xFFFFFFFF  }
0xa5: {  	s26 =	simm.s32 $execute0_lowered;
	[smem:$0x3FD2] =	sst s25  }
0xa6: {  	s5 =	sshll.u32 s26, $0x1;
	_ =	strace $0x80000049;
	[dreg:$0x1] =	wrdreg $0xFFFFFFFF  }
0xa7: {  	s28 =	simm.s32 $_size_execute0_lowered;
	s3 =	sadd.s32 s3, s5;
	[dreg:$0x0] =	wrdreg $0x0  }
0xa8: {  	s5 =	sshll.u32 s28, $0x1;
	[dreg:$0x2] =	wrdreg s3  }
0xa9: {  	[dreg:$0x3] =	wrdreg s5  }
0xaa: {  	[dreg:$0x4] =	wrdreg $0xC0  }
0xab: {  	_ =	task [dreg:s7], $0x5FFFF  }
0xac: {  	[dreg:$0x1] =	wrdreg $0xFFFFFFFF  }
0xad: {  	[dreg:$0x0] =	wrdreg $0x60  }
0xae: {  	[dreg:$0x2] =	wrdreg s2  }
0xaf: {  	[dreg:$0x3] =	wrdreg s24  }
0xb0: {  	[dreg:$0x4] =	wrdreg $0x9  }
0xb1: {  	_ =	task.clear_ibuf [dreg:s7], $0x5FFFF;
	_ =	strace $0x90000049  }
0xb2: {  	s29 =	simm.s32 $0x9;
	_ =	strace $0x8000004B  }
0xb3: {  	_ =	swait.ge [sflag:s29], $0x1  }
0xb4: {  	[sflag:s29] =	ssyncadd.s32 $0xFFFFFFFF  }
0xb5: {  	_ =	strace $0x9000004B  }
0xb6: {  	_ =	sfence  }
0xb7: {  	s30 =	sld [smem:$0x0];
	_ =	sdelay $0x2  }
0xb8: {  	s31 =	sshll.u32 s1, $0xD;
	s1 =	sshrl.u32 s1, $0x2  }
0xb9: {  	s3 =	sand.u32 $0x4000, s31;
	s1 =	sadd.s32 s1, s30  }
0xba: {  	s0 =	sor.u32 s3, s0;
	s1 =	sshll.u32 s1, $0x11  }
0xbb: {  	s0 =	sor.u32 s1, s0  }
0xbc: {  	s0 =	sadd.s32 $0x8F2B, s0  }
0xbd: {  	[sflag:s0] =	ssyncadd.remote.s32 $0x1  }
0xbe: {  	_ =	sfence.sel $0xFFFF  }
0xbf: {  	[dreg:$0x0] =	wrdreg $0xFFFFFFFF;
	(pc) =	sbr.abs _section_cstart, $3  }
0xc0: {  	[dreg:$0x1] =	wrdreg $0xFFFFFFFF  }
0xc1: {  	_ =	task.clear_ibuf [dreg:s7], $0x2FFFF;
	_ =	strace $0x9FFFFFFF  }
0xc2: {  	(tm) =	ssettm $0x7FFFFFFF  }
0xc3: {  	_ =	shalt  }
tec
execute0_lowered:
.L_overlay_start_1:
0x0: {  	(tag) =	ssettag $0x1  }
0x1: {  	s1 =	rddreg [dreg:$0x0]  }
0x2: {  	s0 =	rddreg [dreg:$0x1];
	s3 =	simm.s32 $0x0;
	s2 =	srdreg.scid  }
0x3: {  	s4 =	stileid.u32;
	s15 =	simm.s32 $0x100;
	s17 =	simm.s32 $0x1  }
0x4: {  	s21 =	simm.s32 $0x8400;
	s22 =	simm.s32 $0x2;
	s23 =	simm.s32 $0xA400  }
0x5: {  	s28 =	simm.s32 $0x4;
	[smem:$0x7FF] =	sst s3;
	s2 =	sand.u32 $0x1, s2  }
0x6: {  	s4 =	sshll.u32 s4, $0x1;
	s5 =	sadd.s32 $0xC00, s0;
	s25 =	sadd.s32 $0xA00, s0  }
0x7: {  	s7 =	sadd.s32 $0xE00, s0;
	_ =	strace $0x8000004A;
	[dreg:$0x3] =	wrdreg s5  }
0x8: {  	s24 =	ssub.s32 $0x2, s2;
	s2 =	sor.u32 s2, s4;
	[dreg:$0x4] =	wrdreg s25  }
0x9: {  	s25 =	simm.s32 $0xE400;
	s26 =	sshrl.u32 s24, $0x1;
	s6 =	smul.u32 $0xC0000, s2  }
0xa: {  	s30 =	sshll.u32 s2, $0xF;
	s8 =	sshll.u32 s2, $0x12;
	s2 =	simm.s32 $0x0  }
0xb: {  	s29 =	ssub.s32 s24, s26;
	s31 =	sadd.s32 s1, s30;
	s12 =	sor.u32 $0x4000, s8  }
0xc: {  	s24 =	simm.s32 $0xC400;
	[dreg:$0x5] =	wrdreg s31;
	s0 =	smax.u32 s29, $0x1  }
0xd: {  	v0 =	vimm.s32 $0x0;
	s10 =	sadd.s32 $0x40000, s6;
	s11 =	sadd.s32 $0x80000, s6;
	[dreg:$0x6] =	wrdreg s0  }
.LBB2_1:
0xe: {  	[dreg:$0x7] =	wrdreg s2  }
0xf: {  	s0 =	rddreg [dreg:$0x3];
	s20 =	simm.s32 $0x5  }
0x10: {  	[tilespmem:s3], [sflag:$0x5] =	stream.linear.gather [hbm4b:s0+s3], $0x100, $0x38;
	[tilespmem:$0x10400] =	vst v63  }
0x11: {  	_ =	swait.ge [sflag:s20], $0x100  }
0x12: {  	[sflag:s20] =	ssyncset.done $0x0  }
0x13: {  	s26 =	rddreg [dreg:$0x4];
	[sflag:s20] =	ssyncadd.s32 $0xFFFFFF00  }
0x14: {  	[tilespmem:s15], [sflag:$0x5] =	stream.linear.gather [hbm4b:s26+s3], $0x300, $0x38;
	[tilespmem:$0x10400] =	vst v63  }
0x15: {  	_ =	swait.ge [sflag:s20], $0x300  }
0x16: {  	s31 =	simm.s32 $0x400;
	[sflag:s20] =	ssyncset.done $0x0  }
0x17: {  	s30 =	simm.s32 $0x0;
	s29 =	rddreg [dreg:$0x5];
	[sflag:s20] =	ssyncadd.s32 $0xFFFFFD00  }
0x18: {  	[tilespmem:s31], [sflag:$0x1] =	stream.linear.gather [hbm4b:s29+s3], $0x2000, $0x38;
	[tilespmem:$0x10400] =	vst v63  }
.LBB2_2:
0x19: {  	s0 =	sshll.u32 s30, $0xE  }
0x1a: {  	s31 =	sor.u32 $0x2000, s0  }
0x1b: {  	_ =	swait.ge [sflag:s17], $0x2000;
	s2 =	sor.u32 s8, s31  }
0x1c: {  	s4 =	simm.s32 $0x2400;
	[sflag:s17] =	ssyncset.done $0x0;
	s2 =	sshrl.u32 s2, $0x3  }
0x1d: {  	p0 =	seq.s32 s30, $0x0;
	[sflag:s17] =	ssyncadd.s32 $0xFFFFE000;
	s2 =	sadd.s32 s1, s2  }
0x1e: {  	[tilespmem:s4], [sflag:$0x2] =	stream.linear.gather [hbm4b:s2+s3], $0x2000, $0x38;
	[tilespmem:$0x10400] =	vst v63  }
0x1f: {  	s2 =	simm.s32 @!p0 $0x3  }
0x20: {  	_ =	swait.ge @!p0 [sflag:s2], $0x2000  }
0x21: {  	[sflag:s2] =	ssyncset.done @!p0 $0x0  }
0x22: {  	[sflag:s2] =	ssyncadd.s32 @!p0 $0xFFFFE000  }
0x23: {  	_ =	swait.ge @!p0 [sflag:s2], $0x2000  }
0x24: {  	[sflag:s2] =	ssyncset.done @!p0 $0x0  }
0x25: {  	[sflag:s2] =	ssyncadd.s32 @!p0 $0xFFFFE000  }
0x26: {  	_ =	swait.ge @!p0 [sflag:s2], $0x2000  }
0x27: {  	[sflag:s2] =	ssyncset.done @!p0 $0x0  }
0x28: {  	s18 =	simm.s32 $0x420;
	[sflag:s2] =	ssyncadd.s32 @!p0 $0xFFFFE000  }
0x29: {  	v1 =	vld [tilespmem:s18+$0x10];
	_ =	sdelay $0x2  }
0x2a: {  	v5 =	vld [tilespmem:s18+$0xFFFFFFE0];
	_ =	sdelay $0x1  }
0x2b: {  	v2 =	vmul.f32 $2.540000000e+02, v1;
	_ =	sdelay $0x1  }
0x2c: {  	v2 =	vadd.f32 $5.000000000e-01, v2  }
0x2d: {  	v3 =	vmul.f32 $2.540000000e+02, v5  }
0x2e: {  	v7 =	vld [tilespmem:s18+$0x0];
	v2 =	vtrunc.f32 v2  }
0x2f: {  	v6 =	vld [tilespmem:s18+$0xFFFFFFF0];
	v3 =	vadd.f32 $5.000000000e-01, v3;
	v2 =	vcvt.f32.s32 v2;
	_ =	sdelay $0x1  }
0x30: {  	v3 =	vtrunc.f32 v3;
	vm0 =	vgt.s32 v2, $0x0  }
0x31: {  	v3 =	vcvt.f32.s32 v3;
	v2 =	vnsel vm0, $0x0, v2  }
0x32: {  	s19 =	simm.s32 $0x460;
	v8 =	vmul.f32 $2.540000000e+02, v7;
	v2 =	vmin.u32 v2, $0xFE  }
0x33: {  	v9 =	vld [tilespmem:s19+$0x10];
	v4 =	vmul.f32 $2.540000000e+02, v6;
	vm0 =	vgt.s32 v3, $0x0  }
0x34: {  	v13 =	vld [tilespmem:s19+$0xFFFFFFE0];
	v8 =	vadd.f32 $5.000000000e-01, v8;
	v3 =	vnsel vm0, $0x0, v3  }
0x35: {  	s20 =	simm.s32 $0x4A0;
	v4 =	vadd.f32 $5.000000000e-01, v4;
	v11 =	vmin.u32 v3, $0xFE;
	v3 =	vld [tilespmem:s19+$0xFFFFFFF0]  }
0x36: {  	v23 =	vld [tilespmem:s20+$0xFFFFFFE0];
	v8 =	vtrunc.f32 v8  }
0x37: {  	v4 =	vtrunc.f32 v4;
	v8 =	vcvt.f32.s32 v8;
	v10 =	vld.idx.msk [tilespmem:v2+s3+$0x0], $0xffff  }
0x38: {  	v12 =	vcvt.f32.s32 v4;
	v4 =	vld [tilespmem:s19+$0x0]  }
0x39: {  	v14 =	vmul.f32 $2.540000000e+02, v9;
	v17 =	vmul.f32 $2.540000000e+02, v13;
	vm1 =	vgt.s32 v8, $0x0  }
0x3a: {  	v8 =	vnsel vm1, $0x0, v8;
	vm0 =	vgt.s32 v12, $0x0;
	v16 =	vmul.f32 $2.540000000e+02, v3  }
0x3b: {  	v27 =	vmul.f32 $2.540000000e+02, v23;
	v8 =	vmin.u32 v8, $0xFE;
	v12 =	vnsel vm0, $0x0, v12;
	v15 =	vld.idx.msk [tilespmem:v11+s3+$0x0], $0xffff  }
0x3c: {  	v16 =	vadd.f32 $5.000000000e-01, v16;
	vm0 =	vgt.f32 v1, v10;
	v10 =	vadd.f32 $5.000000000e-01, v14  }
0x3d: {  	v12 =	vmin.u32 v12, $0xFE;
	v1 =	vmul.f32 $2.540000000e+02, v4;
	v14 =	vsel vm0, $0x1, v0  }
0x3e: {  	v16 =	vtrunc.f32 v16;
	v14 =	vadd.s32 v14, v2;
	v2 =	vtrunc.f32 v10  }
0x3f: {  	v1 =	vadd.f32 $5.000000000e-01, v1;
	v10 =	vadd.f32 $5.000000000e-01, v17;
	v2 =	vcvt.f32.s32 v2  }
0x40: {  	v16 =	vcvt.f32.s32 v16;
	vm0 =	vgt.f32 v5, v15;
	v17 =	vadd.s32 $0x100, v14  }
0x41: {  	v15 =	vld.idx.msk [tilespmem:v8+s3+$0x0], $0xffff;
	v1 =	vtrunc.f32 v1;
	v10 =	vtrunc.f32 v10;
	vm1 =	vgt.s32 v2, $0x0  }
0x42: {  	v5 =	vld.idx.msk [tilespmem:v12+s3+$0x0], $0xffff;
	v1 =	vcvt.f32.s32 v1;
	v10 =	vcvt.f32.s32 v10;
	v2 =	vnsel vm1, $0x0, v2  }
0x43: {  	v18 =	vmin.u32 v2, $0xFE;
	v2 =	vand.u32 $0x380, v17;
	v17 =	vand.u32 $0x7F, v14  }
0x44: {  	vm2 =	vgt.s32 v16, $0x0;
	vm1 =	vgt.s32 v10, $0x0;
	v17 =	vor.u32 v17, v2  }
0x45: {  	v2 =	vnsel vm1, $0x0, v10;
	v10 =	vnsel vm2, $0x0, v16;
	vm1 =	vgt.s32 v1, $0x0  }
0x46: {  	v21 =	vld [tilespmem:s20+$0x10];
	vm2 =	vgt.f32 v7, v15;
	v19 =	vmin.u32 v2, $0xFE;
	v1 =	vnsel vm1, $0x0, v1  }
0x47: {  	v16 =	vld.idx.msk [tilespmem:v14+s15+$0x0], $0xffff;
	vm1 =	vgt.f32 v6, v5;
	v22 =	vmin.u32 v1, $0xFE;
	v1 =	vsel vm0, $0x1, v0  }
0x48: {  	v6 =	vsel vm2, $0x1, v0;
	v2 =	vsel vm1, $0x1, v0;
	v7 =	vadd.s32 v1, v11;
	v1 =	vld [tilespmem:s20+$0xFFFFFFF0]  }
0x49: {  	v20 =	vmin.u32 v10, $0xFE;
	v6 =	vadd.s32 v6, v8;
	v10 =	vadd.s32 v2, v12;
	v2 =	vld [tilespmem:s20+$0x0]  }
0x4a: {  	v14 =	vor.u32 $0x200, v14;
	v12 =	vadd.s32 $0x100, v6;
	v5 =	vld.idx.msk [tilespmem:v18+s3+$0x0], $0xffff;
	v8 =	vadd.s32 $0x100, v7  }
0x4b: {  	v11 =	vadd.s32 $0x100, v10;
	v15 =	vand.u32 $0x7F, v7;
	v24 =	vand.u32 $0x7F, v10  }
0x4c: {  	s2 =	simm.s32 $0x4400;
	v12 =	vand.u32 $0x380, v12;
	v8 =	vand.u32 $0x380, v8;
	v11 =	vand.u32 $0x380, v11  }
0x4d: {  	[tilespmem:s2+$0x30] =	vst v16;
	v16 =	vand.u32 $0x7F, v6;
	v8 =	vor.u32 v15, v8;
	v15 =	vmul.f32 $2.540000000e+02, v21  }
0x4e: {  	v11 =	vor.u32 v24, v11;
	v24 =	vor.u32 $0x200, v7;
	v25 =	vmul.f32 $2.540000000e+02, v1  }
0x4f: {  	v17 =	vld.idx.msk [tilespmem:v17+s15+$0x0], $0xffff;
	vm0 =	vgt.f32 v9, v5;
	v5 =	vmul.f32 $2.540000000e+02, v2;
	v9 =	vadd.f32 $5.000000000e-01, v15  }
0x50: {  	v28 =	vld.idx.msk [tilespmem:v20+s3+$0x0], $0xffff;
	v16 =	vor.u32 v16, v12;
	v26 =	vsel vm0, $0x1, v0;
	v25 =	vadd.f32 $5.000000000e-01, v25  }
0x51: {  	v31 =	vld.idx.msk [tilespmem:v6+s15+$0x0], $0xffff;
	v18 =	vadd.s32 v26, v18;
	v5 =	vadd.f32 $5.000000000e-01, v5;
	v9 =	vtrunc.f32 v9  }
0x52: {  	v7 =	vld.idx.msk [tilespmem:v7+s15+$0x0], $0xffff;
	v26 =	vadd.f32 $5.000000000e-01, v27;
	v25 =	vtrunc.f32 v25;
	v9 =	vcvt.f32.s32 v9  }
0x53: {  	v15 =	vld.idx.msk [tilespmem:v19+s3+$0x0], $0xffff;
	v27 =	vor.u32 $0x200, v10;
	v12 =	vcvt.f32.s32 v25  }
0x54: {  	v10 =	vld.idx.msk [tilespmem:v10+s15+$0x0], $0xffff;
	[tilespmem:s2+$0x2030] =	vst v17;
	v5 =	vtrunc.f32 v5;
	v17 =	vtrunc.f32 v26;
	vm0 =	vgt.s32 v9, $0x0  }
0x55: {  	v26 =	vld.idx.msk [tilespmem:v14+s15+$0x0], $0xffff;
	v14 =	vcvt.f32.s32 v17;
	v17 =	vadd.s32 $0x100, v18;
	v9 =	vnsel vm0, $0x0, v9  }
0x56: {  	[tilespmem:s2+$0x20] =	vst v31;
	v25 =	vld.idx.msk [tilespmem:v22+s3+$0x0], $0xffff;
	v5 =	vcvt.f32.s32 v5;
	vm1 =	vgt.s32 v12, $0x0;
	v30 =	vmin.u32 v9, $0xFE  }
0x57: {  	[tilespmem:s2+$0x0] =	vst v7;
	v16 =	vld.idx.msk [tilespmem:v16+s15+$0x0], $0xffff;
	v9 =	vand.u32 $0x380, v17;
	v17 =	vand.u32 $0x7F, v18;
	vm0 =	vgt.s32 v14, $0x0  }
0x58: {  	v32 =	vld.idx.msk [tilespmem:v8+s15+$0x0], $0xffff;
	v8 =	vnsel vm1, $0x0, v12;
	vm1 =	vgt.f32 v13, v15;
	v7 =	vor.u32 v17, v9  }
0x59: {  	v29 =	vld.idx.msk [tilespmem:v18+s15+$0x0], $0xffff;
	[tilespmem:s2+$0x10] =	vst v10;
	v17 =	vor.u32 $0x200, v6;
	v6 =	vnsel vm0, $0x0, v14;
	vm0 =	vgt.s32 v5, $0x0  }
0x5a: {  	s26 =	simm.s32 $0x4E0;
	v33 =	vld.idx.msk [tilespmem:v11+s15+$0x0], $0xffff;
	v12 =	vmin.u32 v8, $0xFE;
	v10 =	vmin.u32 v6, $0xFE;
	v5 =	vnsel vm0, $0x0, v5  }
0x5b: {  	v9 =	vld [tilespmem:s26+$0x10];
	vm0 =	vgt.f32 v3, v28;
	vm2 =	vgt.f32 v4, v25;
	v4 =	vsel vm1, $0x1, v0  }
0x5c: {  	v8 =	vmin.u32 v5, $0xFE;
	v5 =	vsel vm0, $0x1, v0;
	v19 =	vadd.s32 v4, v19;
	v4 =	vld [tilespmem:s26+$0xFFFFFFF0]  }
0x5d: {  	s5 =	simm.s32 $0x4440;
	v20 =	vadd.s32 v5, v20;
	v5 =	vld [tilespmem:s26+$0x0]  }
0x5e: {  	v18 =	vor.u32 $0x200, v18;
	v6 =	vsel vm2, $0x1, v0;
	v3 =	vld.idx.msk [tilespmem:v30+s3+$0x0], $0xffff;
	[tilespmem:s5+$0x30] =	vst v29  }
0x5f: {  	v22 =	vadd.s32 v6, v22;
	v6 =	vadd.s32 $0x100, v19;
	v15 =	vand.u32 $0x7F, v19;
	v11 =	vld.idx.msk [tilespmem:v7+s15+$0x0], $0xffff  }
0x60: {  	s9 =	simm.s32 $0x0;
	v13 =	vadd.s32 $0x100, v22;
	v14 =	vand.u32 $0x380, v6;
	v58 =	vand.u32 $0x7F, v20;
	v25 =	vld.idx.msk [tilespmem:v10+s3+$0x0], $0xffff  }
0x61: {  	s29 =	sand.u32 $0x1FC0, s9;
	v6 =	vld [tilespmem:s26+$0xFFFFFFE0];
	v7 =	vadd.s32 $0x100, v20;
	v13 =	vand.u32 $0x380, v13;
	v59 =	vor.u32 v15, v14  }
0x62: {  	[tilespmem:s29+$0x6400] =	vst v32;
	v15 =	vand.u32 $0x7F, v22;
	v60 =	vmul.f32 $2.540000000e+02, v9;
	v7 =	vand.u32 $0x380, v7  }
0x63: {  	v62 =	vld.idx.msk [tilespmem:v24+s15+$0x0], $0xffff;
	v34 =	vor.u32 v15, v13;
	v28 =	vor.u32 v58, v7;
	v7 =	vor.u32 $0x200, v19  }
0x64: {  	[tilespmem:s2+$0x2020] =	vst v16;
	v14 =	vld.idx.msk [tilespmem:v12+s3+$0x0], $0xffff;
	vm1 =	vgt.f32 v21, v3;
	v3 =	vmul.f32 $2.540000000e+02, v4;
	v21 =	vmul.f32 $2.540000000e+02, v5  }
0x65: {  	v17 =	vld.idx.msk [tilespmem:v17+s15+$0x0], $0xffff;
	[tilespmem:s5+$0x2030] =	vst v11;
	v11 =	vsel vm1, $0x1, v0;
	vm0 =	vgt.f32 v23, v25;
	v23 =	vadd.f32 $5.000000000e-01, v60  }
0x66: {  	v19 =	vld.idx.msk [tilespmem:v19+s15+$0x0], $0xffff;
	v13 =	vadd.s32 v11, v30;
	v25 =	vmul.f32 $2.540000000e+02, v6;
	v3 =	vadd.f32 $5.000000000e-01, v3  }
0x67: {  	v18 =	vld.idx.msk [tilespmem:v18+s15+$0x0], $0xffff;
	v11 =	vor.u32 $0x200, v20;
	v21 =	vadd.f32 $5.000000000e-01, v21;
	v23 =	vtrunc.f32 v23  }
0x68: {  	[tilespmem:s2+$0x4030] =	vst v26;
	v26 =	vld.idx.msk [tilespmem:v20+s15+$0x0], $0xffff;
	v20 =	vadd.f32 $5.000000000e-01, v25;
	v25 =	vtrunc.f32 v3;
	v23 =	vcvt.f32.s32 v23  }
0x69: {  	v61 =	vld.idx.msk [tilespmem:v22+s15+$0x0], $0xffff;
	v3 =	vor.u32 $0x200, v22;
	v21 =	vtrunc.f32 v21;
	v22 =	vcvt.f32.s32 v25  }
0x6a: {  	[tilespmem:s2+$0x2010] =	vst v33;
	v15 =	vld.idx.msk [tilespmem:v8+s3+$0x0], $0xffff;
	v63 =	vcvt.f32.s32 v21;
	v16 =	vtrunc.f32 v20;
	vm1 =	vgt.s32 v23, $0x0  }
0x6b: {  	[tilespmem:s5+$0x0] =	vst v19;
	v20 =	vld.idx.msk [tilespmem:v27+s15+$0x0], $0xffff;
	v21 =	vcvt.f32.s32 v16;
	v16 =	vnsel vm1, $0x0, v23;
	v23 =	vadd.s32 $0x100, v13  }
0x6c: {  	v24 =	vld.idx.msk [tilespmem:v13+s15+$0x0], $0xffff;
	[tilespmem:s5+$0x4030] =	vst v18;
	v16 =	vmin.u32 v16, $0xFE;
	v18 =	vand.u32 $0x380, v23;
	v23 =	vand.u32 $0x7F, v13  }
0x6d: {  	[tilespmem:s5+$0x10] =	vst v26;
	vm2 =	vgt.s32 v22, $0x0;
	vm1 =	vgt.s32 v21, $0x0;
	v25 =	vor.u32 v23, v18;
	v23 =	vld.idx.msk [tilespmem:v59+s15+$0x0], $0xffff  }
0x6e: {  	[tilespmem:s5+$0x20] =	vst v61;
	v22 =	vnsel vm2, $0x0, v22;
	v18 =	vnsel vm1, $0x0, v21;
	vm1 =	vgt.s32 v63, $0x0;
	v21 =	vld.idx.msk [tilespmem:v28+s15+$0x0], $0xffff  }
0x6f: {  	s13 =	simm.s32 $0xC;
	s14 =	simm.s32 $0x520;
	s4 =	simm.s32 $0x4440;
	[tilespmem:s29+$0x8400] =	vst v62;
	v19 =	vmin.u32 v18, $0xFE;
	v18 =	vmin.u32 v22, $0xFE;
	v26 =	vnsel vm1, $0x0, v63;
	v22 =	vld.idx.msk [tilespmem:v34+s15+$0x0], $0xffff  }
.LBB2_3:
0x70: {  	v27 =	vld [tilespmem:s14+$0x10];
	v26 =	vmin.u32 v26, $0xFE;
	vm1 =	vgt.f32 v1, v14;
	vm2 =	vgt.f32 v2, v15;
	s5 =	sadd.s32 $0x40, s5;
	[tilespmem:s2+$0x4010] =	vst v20;
	v1 =	vmovc v4  }
0x71: {  	v4 =	vsel vm0, $0x1, v0;
	s9 =	sadd.s32 $0x40, s9;
	v2 =	vmovc v5;
	v20 =	vld.idx.msk [tilespmem:v16+s3+$0x0], $0xffff;
	v14 =	vsel vm1, $0x1, v0;
	v15 =	vsel vm2, $0x1, v0;
	[tilespmem:s5+$0x30] =	vst v24  }
0x72: {  	v24 =	vadd.s32 v4, v10;
	s16 =	sand.u32 $0x1FC0, s9;
	v28 =	vadd.s32 v14, v12;
	v29 =	vadd.s32 v15, v8;
	v25 =	vld.idx.msk [tilespmem:v25+s15+$0x0], $0xffff  }
0x73: {  	s13 =	sadd.s32 $0x4, s13;
	v10 =	vmovc v19;
	v30 =	vadd.s32 $0x100, v24;
	v8 =	vmovc v26;
	v4 =	vld [tilespmem:s14+$0xFFFFFFF0];
	v14 =	vadd.s32 $0x100, v28;
	v15 =	vadd.s32 $0x100, v29;
	[tilespmem:s16+$0x6400] =	vst v23  }
0x74: {  	v13 =	vor.u32 $0x200, v13;
	p0 =	slt.u32 s13, $0x1FC;
	v12 =	vmovc v18;
	v23 =	vand.u32 $0x380, v30;
	v5 =	vld [tilespmem:s14+$0x0];
	v14 =	vand.u32 $0x380, v14;
	[tilespmem:s4+$0x2010] =	vst v21  }
0x75: {  	v26 =	vand.u32 $0x7F, v24;
	v30 =	vand.u32 $0x7F, v28;
	v15 =	vand.u32 $0x380, v15;
	v21 =	vld [tilespmem:s14+$0xFFFFFFE0];
	[tilespmem:s4+$0x2020] =	vst v22  }
0x76: {  	v22 =	vor.u32 v26, v23;
	v26 =	vor.u32 v30, v14;
	v23 =	vand.u32 $0x7F, v29;
	v19 =	vld.idx.msk [tilespmem:v19+s3+$0x0], $0xffff;
	[tilespmem:s2+$0x4020] =	vst v17;
	s2 =	smov.u32 s4;
	s4 =	smov.u32 s5  }
0x77: {  	v17 =	vmul.f32 $2.540000000e+02, v27;
	v30 =	vor.u32 v23, v15;
	v14 =	vld.idx.msk [tilespmem:v18+s3+$0x0], $0xffff;
	v18 =	vor.u32 $0x200, v24  }
0x78: {  	v31 =	vor.u32 $0x200, v28;
	vm0 =	vgt.f32 v9, v20;
	v9 =	vmovc v27;
	v23 =	vmul.f32 $2.540000000e+02, v4;
	v15 =	vld.idx.msk [tilespmem:v8+s3+$0x0], $0xffff;
	[tilespmem:s5+$0x2030] =	vst v25  }
0x79: {  	v17 =	vadd.f32 $5.000000000e-01, v17;
	v25 =	vsel vm0, $0x1, v0;
	v20 =	vmul.f32 $2.540000000e+02, v5;
	v27 =	vld.idx.msk [tilespmem:v13+s15+$0x0], $0xffff  }
0x7a: {  	v13 =	vadd.s32 v25, v16;
	v32 =	vmul.f32 $2.540000000e+02, v21;
	v23 =	vadd.f32 $5.000000000e-01, v23;
	v25 =	vld.idx.msk [tilespmem:v24+s15+$0x0], $0xffff  }
0x7b: {  	v33 =	vor.u32 $0x200, v29;
	v17 =	vtrunc.f32 v17;
	v16 =	vadd.f32 $5.000000000e-01, v20;
	v28 =	vld.idx.msk [tilespmem:v28+s15+$0x0], $0xffff  }
0x7c: {  	v17 =	vcvt.f32.s32 v17;
	v20 =	vadd.f32 $5.000000000e-01, v32;
	v23 =	vtrunc.f32 v23;
	v29 =	vld.idx.msk [tilespmem:v29+s15+$0x0], $0xffff  }
0x7d: {  	vm0 =	vgt.f32 v6, v19;
	v6 =	vmovc v21;
	v32 =	vcvt.f32.s32 v23;
	v16 =	vtrunc.f32 v16;
	v34 =	vld.idx.msk [tilespmem:v7+s15+$0x0], $0xffff;
	v7 =	vmovc v18  }
0x7e: {  	vm1 =	vgt.s32 v17, $0x0;
	v18 =	vtrunc.f32 v20;
	v35 =	vcvt.f32.s32 v16;
	v20 =	vld.idx.msk [tilespmem:v11+s15+$0x0], $0xffff;
	v11 =	vmovc v31  }
.Ltmp0:
0x7f: {  	v16 =	vnsel vm1, $0x0, v17;
	v17 =	vadd.s32 $0x100, v13;
	v18 =	vcvt.f32.s32 v18;
	v24 =	vld.idx.msk [tilespmem:v13+s15+$0x0], $0xffff;
	[tilespmem:s5+$0x4030] =	vst v27;
	(pc) =	sbr.rel @p0 .LBB2_3-.Ltmp0, $4  }
0x80: {  	v21 =	vand.u32 $0x7F, v13;
	v16 =	vmin.u32 v16, $0xFE;
	v19 =	vand.u32 $0x380, v17;
	[tilespmem:s5+$0x0] =	vst v25;
	v17 =	vld.idx.msk [tilespmem:v3+s15+$0x0], $0xffff;
	v3 =	vmovc v33  }
0x81: {  	vm2 =	vgt.s32 v32, $0x0;
	v25 =	vor.u32 v21, v19;
	vm1 =	vgt.s32 v18, $0x0;
	v23 =	vld.idx.msk [tilespmem:v22+s15+$0x0], $0xffff;
	[tilespmem:s5+$0x10] =	vst v28  }
0x82: {  	v22 =	vnsel vm2, $0x0, v32;
	v18 =	vnsel vm1, $0x0, v18;
	vm1 =	vgt.s32 v35, $0x0;
	v21 =	vld.idx.msk [tilespmem:v26+s15+$0x0], $0xffff;
	[tilespmem:s5+$0x20] =	vst v29  }
0x83: {  	s14 =	sadd.s32 $0x40, s14;
	v19 =	vmin.u32 v18, $0xFE;
	v18 =	vmin.u32 v22, $0xFE;
	v26 =	vnsel vm1, $0x0, v35;
	v22 =	vld.idx.msk [tilespmem:v30+s15+$0x0], $0xffff;
	[tilespmem:s16+$0x8400] =	vst v34  }
0x84: {  	_ =	sdelay $0x3  }
0x85: {  	v27 =	vld.idx.msk [tilespmem:v16+s3+$0x0], $0xffff  }
0x86: {  	s5 =	sadd.s32 $0x40, s5  }
0x87: {  	vm1 =	vgt.f32 v1, v14;
	v1 =	vsel vm0, $0x1, v0;
	s9 =	sadd.s32 $0x40, s9;
	[tilespmem:s5+$0x30] =	vst v24;
	v24 =	vmin.u32 v26, $0xFE  }
0x88: {  	v14 =	vsel vm1, $0x1, v0;
	v1 =	vadd.s32 v1, v10;
	s13 =	sand.u32 $0x1FC0, s9;
	v25 =	vld.idx.msk [tilespmem:v25+s15+$0x0], $0xffff  }
0x89: {  	v13 =	vor.u32 $0x200, v13;
	vm1 =	vgt.f32 v2, v15;
	v2 =	vadd.s32 v14, v12;
	v14 =	vld.idx.msk [tilespmem:v18+s3+$0x0], $0xffff;
	[tilespmem:s13+$0x6400] =	vst v23  }
0x8a: {  	v7 =	vld.idx.msk [tilespmem:v7+s15+$0x0], $0xffff;
	vm0 =	vgt.f32 v9, v27  }
0x8b: {  	v9 =	vld.idx.msk [tilespmem:v19+s3+$0x0], $0xffff;
	v10 =	vsel vm0, $0x1, v0  }
0x8c: {  	[tilespmem:s2+$0x4010] =	vst v20;
	v12 =	vsel vm1, $0x1, v0;
	v20 =	vand.u32 $0x7F, v1;
	v15 =	vld.idx.msk [tilespmem:v24+s3+$0x0], $0xffff;
	v10 =	vadd.s32 v10, v16  }
0x8d: {  	v8 =	vadd.s32 v12, v8;
	v12 =	vadd.s32 $0x100, v1;
	[tilespmem:s5+$0x2030] =	vst v25;
	v16 =	vadd.s32 $0x100, v2;
	v25 =	vld.idx.msk [tilespmem:v1+s15+$0x0], $0xffff  }
0x8e: {  	v23 =	vand.u32 $0x7F, v2;
	v12 =	vand.u32 $0x380, v12;
	v13 =	vld.idx.msk [tilespmem:v13+s15+$0x0], $0xffff;
	v16 =	vand.u32 $0x380, v16  }
0x8f: {  	[tilespmem:s4+$0x2010] =	vst v21;
	v12 =	vor.u32 v20, v12;
	v20 =	vld.idx.msk [tilespmem:v2+s15+$0x0], $0xffff;
	v21 =	vadd.s32 $0x100, v10;
	v16 =	vor.u32 v23, v16  }
0x90: {  	[tilespmem:s2+$0x4020] =	vst v17;
	v11 =	vld.idx.msk [tilespmem:v11+s15+$0x0], $0xffff;
	vm0 =	vgt.f32 v6, v9;
	v9 =	vand.u32 $0x380, v21;
	v21 =	vand.u32 $0x7F, v10  }
0x91: {  	[tilespmem:s4+$0x2020] =	vst v22;
	vm1 =	vgt.f32 v4, v14;
	v9 =	vor.u32 v21, v9;
	v4 =	vsel vm0, $0x1, v0;
	v6 =	vld.idx.msk [tilespmem:v10+s15+$0x0], $0xffff  }
0x92: {  	v17 =	vld.idx.msk [tilespmem:v8+s15+$0x0], $0xffff;
	vm0 =	vgt.f32 v5, v15;
	v5 =	vsel vm1, $0x1, v0;
	v15 =	vand.u32 $0x7F, v8;
	[tilespmem:s5+$0x0] =	vst v25  }
0x93: {  	v3 =	vld.idx.msk [tilespmem:v3+s15+$0x0], $0xffff;
	v4 =	vadd.s32 v4, v19;
	v14 =	vsel vm0, $0x1, v0;
	[tilespmem:s5+$0x4030] =	vst v13;
	v13 =	vadd.s32 $0x100, v8  }
0x94: {  	v5 =	vadd.s32 v5, v18;
	[tilespmem:s5+$0x10] =	vst v20;
	v12 =	vld.idx.msk [tilespmem:v12+s15+$0x0], $0xffff;
	v14 =	vadd.s32 v14, v24;
	v13 =	vand.u32 $0x380, v13  }
0x95: {  	s18 =	sadd.s32 $0x40, s5;
	[tilespmem:s4+$0x4010] =	vst v11;
	v13 =	vor.u32 v15, v13;
	v15 =	vld.idx.msk [tilespmem:v16+s15+$0x0], $0xffff;
	v16 =	vadd.s32 $0x100, v5  }
0x96: {  	v1 =	vor.u32 $0x200, v1;
	v11 =	vand.u32 $0x380, v16;
	v16 =	vand.u32 $0x7F, v5;
	[tilespmem:s18+$0x30] =	vst v6  }
0x97: {  	s9 =	sadd.s32 $0x40, s9;
	[tilespmem:s5+$0x20] =	vst v17;
	v17 =	vadd.s32 $0x100, v14;
	v11 =	vor.u32 v16, v11;
	v6 =	vld.idx.msk [tilespmem:v9+s15+$0x0], $0xffff;
	v9 =	vadd.s32 $0x100, v4  }
0x98: {  	s19 =	sand.u32 $0x1FC0, s9;
	[tilespmem:s13+$0x8400] =	vst v7;
	v18 =	vld.idx.msk [tilespmem:v4+s15+$0x0], $0xffff;
	v7 =	vand.u32 $0x380, v9;
	v9 =	vor.u32 $0x200, v10;
	v10 =	vand.u32 $0x7F, v4  }
0x99: {  	v16 =	vand.u32 $0x7F, v14;
	[tilespmem:s19+$0x6400] =	vst v12;
	v12 =	vand.u32 $0x380, v17;
	v17 =	vld.idx.msk [tilespmem:v14+s15+$0x0], $0xffff;
	v7 =	vor.u32 v10, v7  }
0x9a: {  	[tilespmem:s4+$0x4020] =	vst v3;
	v12 =	vor.u32 v16, v12;
	v10 =	vld.idx.msk [tilespmem:v5+s15+$0x0], $0xffff  }
0x9b: {  	v1 =	vld.idx.msk [tilespmem:v1+s15+$0x0], $0xffff;
	[tilespmem:s5+$0x2010] =	vst v15  }
0x9c: {  	v13 =	vld.idx.msk [tilespmem:v13+s15+$0x0], $0xffff;
	[tilespmem:s18+$0x2030] =	vst v6  }
0x9d: {  	v2 =	vor.u32 $0x200, v2;
	[tilespmem:s18+$0x0] =	vst v18;
	v6 =	vld.idx.msk [tilespmem:v9+s15+$0x0], $0xffff  }
0x9e: {  	v8 =	vor.u32 $0x200, v8;
	[tilespmem:s18+$0x20] =	vst v17;
	v7 =	vld.idx.msk [tilespmem:v7+s15+$0x0], $0xffff  }
0x9f: {  	v4 =	vor.u32 $0x200, v4;
	[tilespmem:s18+$0x10] =	vst v10;
	v10 =	vld.idx.msk [tilespmem:v12+s15+$0x0], $0xffff  }
0xa0: {  	v3 =	vor.u32 $0x200, v14;
	[tilespmem:s19+$0x8400] =	vst v1;
	v9 =	vld.idx.msk [tilespmem:v11+s15+$0x0], $0xffff  }
0xa1: {  	s20 =	sadd.s32 $0x40, s9;
	v5 =	vor.u32 $0x200, v5;
	[tilespmem:s5+$0x2020] =	vst v13  }
0xa2: {  	s4 =	sand.u32 $0x1FC0, s20;
	v2 =	vld.idx.msk [tilespmem:v2+s15+$0x0], $0xffff;
	[tilespmem:s18+$0x4030] =	vst v6  }
0xa3: {  	v6 =	vld.idx.msk [tilespmem:v8+s15+$0x0], $0xffff;
	[tilespmem:s4+$0x6400] =	vst v7  }
0xa4: {  	[tilespmem:s18+$0x2020] =	vst v10;
	v4 =	vld.idx.msk [tilespmem:v4+s15+$0x0], $0xffff  }
0xa5: {  	[tilespmem:s18+$0x2010] =	vst v9;
	v1 =	vld.idx.msk [tilespmem:v3+s15+$0x0], $0xffff  }
0xa6: {  	v5 =	vld.idx.msk [tilespmem:v5+s15+$0x0], $0xffff  }
0xa7: {  	[tilespmem:s5+$0x4010] =	vst v2  }
0xa8: {  	[tilespmem:s5+$0x4020] =	vst v6  }
0xa9: {  	s26 =	sor.u32 s6, s0;
	[tilespmem:s4+$0x8400] =	vst v4  }
0xaa: {  	s13 =	sor.u32 s10, s0;
	s4 =	sshrl.u32 s26, $0x3;
	[tilespmem:s18+$0x4020] =	vst v1  }
0xab: {  	s9 =	simm.s32 $0x4400;
	s2 =	sshrl.u32 s13, $0x3;
	[tilespmem:s18+$0x4010] =	vst v5;
	s5 =	sadd.s32 s7, s4  }
0xac: {  	[hbm4b:s5+s3] =	stream.linear.scatter [tilespmem:s9], [sflag:$0x3], $0x2000, $0x38;
	[tilespmem:$0x10400] =	vst v63  }
0xad: {  	s14 =	simm.s32 $0x6400;
	s16 =	sor.u32 s11, s0;
	s2 =	sadd.s32 s7, s2  }
0xae: {  	[hbm4b:s2+s3] =	stream.linear.scatter [tilespmem:s14], [sflag:$0x3], $0x2000, $0x38;
	[tilespmem:$0x10400] =	vst v63  }
0xaf: {  	p0 =	seq.s32 s30, $0xF;
	s2 =	sshrl.u32 s16, $0x3  }
0xb0: {  	s0 =	sadd.s32 @!p0 s0, s12;
	s2 =	sadd.s32 s7, s2  }
0xb1: {  	[hbm4b:s2+s3] =	stream.linear.scatter [tilespmem:s21], [sflag:$0x3], $0x2000, $0x38;
	[tilespmem:$0x10400] =	vst v63  }
0xb2: {  	s0 =	sshrl.u32 @!p0 s0, $0x3;
	_ =	swait.ge [sflag:s22], $0x2000  }
0xb3: {  	p1 =	seq.s32 @!p0 s30, $0x0;
	s0 =	sadd.s32 @!p0 s1, s0;
	[sflag:s22] =	ssyncset.done $0x0  }
0xb4: {  	s4 =	simm.s32 @!p0 $0x400;
	s2 =	simm.s32 @!p0 $0x0;
	[sflag:s22] =	ssyncadd.s32 $0xFFFFE000  }
0xb5: {  	[tilespmem:s4], [sflag:$0x1] =	stream.linear.gather @!p0 [hbm4b:s0+s2], $0x2000, $0x38;
	[tilespmem:$0x10400] =	vst v63  }
0xb6: {  	p0 =	por p0, !p1  }
0xb7: {  	_ =	swait.ge @p0 [sflag:s28], $0x2000  }
0xb8: {  	[sflag:s28] =	ssyncset.done @p0 $0x0  }
0xb9: {  	[sflag:s28] =	ssyncadd.s32 @p0 $0xFFFFE000  }
0xba: {  	_ =	swait.ge @p0 [sflag:s28], $0x2000  }
0xbb: {  	[sflag:s28] =	ssyncset.done @p0 $0x0  }
0xbc: {  	[sflag:s28] =	ssyncadd.s32 @p0 $0xFFFFE000  }
0xbd: {  	_ =	swait.ge @p0 [sflag:s28], $0x2000  }
0xbe: {  	[sflag:s28] =	ssyncset.done @p0 $0x0  }
0xbf: {  	s5 =	simm.s32 $0x0;
	[sflag:s28] =	ssyncadd.s32 @p0 $0xFFFFE000  }
0xc0: {  	v1 =	vld [tilespmem:s5+$0x2410];
	_ =	sdelay $0x1  }
0xc1: {  	v2 =	vld [tilespmem:s5+$0x2420];
	_ =	sdelay $0x2  }
0xc2: {  	v3 =	vmul.f32 $2.540000000e+02, v1;
	_ =	sdelay $0x1  }
0xc3: {  	v4 =	vld [tilespmem:s5+$0x2430];
	v5 =	vmul.f32 $2.540000000e+02, v2;
	v3 =	vadd.f32 $5.000000000e-01, v3  }
0xc4: {  	s18 =	simm.s32 $0x0;
	s2 =	simm.s32 $0x40  }
0xc5: {  	s9 =	sand.u32 $0x1FC0, s18;
	v10 =	vld [tilespmem:s2+$0x2430];
	v5 =	vadd.f32 $5.000000000e-01, v5;
	v3 =	vtrunc.f32 v3  }
0xc6: {  	s19 =	simm.s32 $0x40;
	v6 =	vld [tilespmem:s9+$0x2400];
	v3 =	vcvt.f32.s32 v3  }
0xc7: {  	s16 =	sand.u32 $0x1FC0, s19;
	v8 =	vld [tilespmem:s2+$0x2410];
	v5 =	vtrunc.f32 v5  }
0xc8: {  	v15 =	vld [tilespmem:s16+$0x2400];
	v7 =	vmul.f32 $2.540000000e+02, v4;
	v5 =	vcvt.f32.s32 v5;
	vm0 =	vgt.s32 v3, $0x0  }
0xc9: {  	v12 =	vld [tilespmem:s2+$0x2420];
	v3 =	vnsel vm0, $0x0, v3  }
0xca: {  	v7 =	vadd.f32 $5.000000000e-01, v7;
	vm0 =	vgt.s32 v5, $0x0;
	v3 =	vmin.u32 v3, $0xFE  }
0xcb: {  	v9 =	vmul.f32 $2.540000000e+02, v10;
	v11 =	vmul.f32 $2.540000000e+02, v6;
	v5 =	vnsel vm0, $0x0, v5  }
0xcc: {  	v13 =	vmul.f32 $2.540000000e+02, v8;
	v7 =	vtrunc.f32 v7;
	v5 =	vmin.u32 v5, $0xFE  }
0xcd: {  	v18 =	vmul.f32 $2.540000000e+02, v15;
	v7 =	vcvt.f32.s32 v7  }
0xce: {  	v16 =	vmul.f32 $2.540000000e+02, v12;
	v9 =	vadd.f32 $5.000000000e-01, v9;
	v13 =	vadd.f32 $5.000000000e-01, v13  }
0xcf: {  	v11 =	vadd.f32 $5.000000000e-01, v11;
	v18 =	vadd.f32 $5.000000000e-01, v18;
	vm0 =	vgt.s32 v7, $0x0;
	v14 =	vld.idx.msk [tilespmem:v3+s3+$0x0], $0xffff  }
0xd0: {  	v9 =	vtrunc.f32 v9;
	v13 =	vtrunc.f32 v13;
	v7 =	vnsel vm0, $0x0, v7  }
0xd1: {  	v11 =	vtrunc.f32 v11;
	v13 =	vcvt.f32.s32 v13;
	v7 =	vmin.u32 v7, $0xFE;
	v17 =	vld.idx.msk [tilespmem:v5+s3+$0x0], $0xffff  }
0xd2: {  	v16 =	vadd.f32 $5.000000000e-01, v16;
	v18 =	vtrunc.f32 v18;
	v11 =	vcvt.f32.s32 v11  }
0xd3: {  	v9 =	vcvt.f32.s32 v9;
	v18 =	vcvt.f32.s32 v18;
	vm1 =	vgt.s32 v13, $0x0  }
0xd4: {  	vm2 =	vgt.f32 v1, v14;
	v1 =	vnsel vm1, $0x0, v13;
	vm1 =	vgt.s32 v11, $0x0  }
0xd5: {  	vm0 =	vgt.s32 v9, $0x0;
	v13 =	vtrunc.f32 v16;
	v11 =	vnsel vm1, $0x0, v11  }
0xd6: {  	s0 =	simm.s32 $0x80;
	v14 =	vld.idx.msk [tilespmem:v7+s3+$0x0], $0xffff;
	v13 =	vcvt.f32.s32 v13;
	v19 =	vmin.u32 v1, $0xFE;
	vm1 =	vgt.f32 v2, v17  }
0xd7: {  	v1 =	vld [tilespmem:s0+$0x2430];
	v2 =	vnsel vm0, $0x0, v9;
	v11 =	vmin.u32 v11, $0xFE;
	v9 =	vsel vm1, $0x1, v0  }
0xd8: {  	v16 =	vsel vm2, $0x1, v0;
	vm0 =	vgt.s32 v13, $0x0;
	v9 =	vadd.s32 v9, v5  }
0xd9: {  	s20 =	simm.s32 $0x80;
	v17 =	vmin.u32 v2, $0xFE;
	v2 =	vnsel vm0, $0x0, v13;
	v5 =	vadd.s32 $0x100, v9  }
0xda: {  	s4 =	sand.u32 $0x1FC0, s20;
	v13 =	vand.u32 $0x7F, v9;
	v23 =	vor.u32 $0x200, v9;
	v20 =	vmin.u32 v2, $0xFE;
	v2 =	vld [tilespmem:s0+$0x2410]  }
0xdb: {  	v5 =	vand.u32 $0x380, v5;
	vm0 =	vgt.f32 v4, v14;
	v14 =	vadd.s32 v16, v3;
	v3 =	vld [tilespmem:s4+$0x2400]  }
0xdc: {  	v13 =	vor.u32 v13, v5;
	v5 =	vsel vm0, $0x1, v0;
	v21 =	vmul.f32 $2.540000000e+02, v1;
	v4 =	vld.idx.msk [tilespmem:v11+s3+$0x0], $0xffff  }
0xdd: {  	v16 =	vadd.s32 $0x100, v14;
	v26 =	vand.u32 $0x7F, v14;
	v7 =	vadd.s32 v5, v7;
	v5 =	vld [tilespmem:s0+$0x2420]  }
0xde: {  	v16 =	vand.u32 $0x380, v16;
	v22 =	vadd.s32 $0x100, v7;
	v21 =	vadd.f32 $5.000000000e-01, v21  }
0xdf: {  	v24 =	vor.u32 $0x200, v7;
	v27 =	vand.u32 $0x7F, v7;
	v9 =	vld.idx.msk [tilespmem:v9+s15+$0x0], $0xffff;
	v25 =	vmul.f32 $2.540000000e+02, v2  }
0xe0: {  	v16 =	vor.u32 v26, v16;
	v22 =	vand.u32 $0x380, v22;
	v21 =	vtrunc.f32 v21  }
0xe1: {  	v26 =	vld.idx.msk [tilespmem:v17+s3+$0x0], $0xffff;
	vm0 =	vgt.f32 v6, v4;
	v6 =	vor.u32 v27, v22;
	v22 =	vadd.f32 $5.000000000e-01, v25  }
0xe2: {  	v28 =	vmul.f32 $2.540000000e+02, v3;
	v4 =	vld.idx.msk [tilespmem:v19+s3+$0x0], $0xffff;
	v29 =	vmul.f32 $2.540000000e+02, v5;
	v25 =	vsel vm0, $0x1, v0  }
0xe3: {  	v21 =	vcvt.f32.s32 v21;
	v7 =	vld.idx.msk [tilespmem:v7+s15+$0x0], $0xffff;
	v25 =	vadd.s32 v25, v11;
	v11 =	vtrunc.f32 v22  }
0xe4: {  	v30 =	vld.idx.msk [tilespmem:v14+s15+$0x0], $0xffff;
	v28 =	vadd.f32 $5.000000000e-01, v28;
	[tilespmem:s5+$0xA420] =	vst v9;
	v9 =	vadd.f32 $5.000000000e-01, v29;
	v11 =	vcvt.f32.s32 v11  }
0xe5: {  	s26 =	simm.s32 $0xC0;
	v27 =	vld.idx.msk [tilespmem:v20+s3+$0x0], $0xffff;
	vm0 =	vgt.s32 v21, $0x0;
	v22 =	vadd.s32 $0x100, v25;
	v29 =	vand.u32 $0x7F, v25  }
0xe6: {  	s13 =	sand.u32 $0x1FC0, s26;
	v13 =	vld.idx.msk [tilespmem:v13+s15+$0x0], $0xffff;
	v22 =	vand.u32 $0x380, v22;
	v9 =	vtrunc.f32 v9;
	vm1 =	vgt.s32 v11, $0x0  }
0xe7: {  	s14 =	simm.s32 $0xC0;
	vm2 =	vgt.f32 v8, v4;
	v4 =	vld [tilespmem:s13+$0x2400];
	v32 =	vcvt.f32.s32 v9;
	v9 =	vnsel vm0, $0x0, v21  }
0xe8: {  	[tilespmem:s5+$0xA430] =	vst v7;
	v21 =	vor.u32 v29, v22;
	v7 =	vld [tilespmem:s14+$0x2420];
	v8 =	vnsel vm1, $0x0, v11;
	vm1 =	vgt.s32 v18, $0x0  }
0xe9: {  	v31 =	vsel vm2, $0x1, v0;
	v8 =	vmin.u32 v8, $0xFE;
	v11 =	vnsel vm1, $0x0, v18;
	v18 =	vld.idx.msk [tilespmem:v25+s15+$0x0], $0xffff  }
0xea: {  	vm1 =	vgt.f32 v12, v27;
	v27 =	vld.idx.msk [tilespmem:v6+s15+$0x0], $0xffff;
	vm0 =	vgt.s32 v32, $0x0;
	v33 =	vmin.u32 v11, $0xFE  }
0xeb: {  	v6 =	vld [tilespmem:s14+$0x2430];
	v25 =	vor.u32 $0x200, v25;
	v12 =	vsel vm1, $0x1, v0;
	v11 =	vmin.u32 v9, $0xFE  }
0xec: {  	[tilespmem:s5+$0xC420] =	vst v13;
	v9 =	vld [tilespmem:s14+$0x2410];
	v20 =	vadd.s32 v12, v20;
	v12 =	vnsel vm0, $0x0, v32;
	vm0 =	vgt.f32 v10, v26  }
0xed: {  	[tilespmem:s5+$0xA410] =	vst v30;
	v23 =	vld.idx.msk [tilespmem:v23+s15+$0x0], $0xffff;
	v10 =	vadd.s32 v31, v19;
	v31 =	vtrunc.f32 v28;
	v22 =	vadd.s32 $0x100, v20  }
0xee: {  	v26 =	vld.idx.msk [tilespmem:v16+s15+$0x0], $0xffff;
	v29 =	vand.u32 $0x7F, v20;
	v12 =	vmin.u32 v12, $0xFE;
	v19 =	vsel vm0, $0x1, v0  }
0xef: {  	v13 =	vadd.s32 $0x100, v10;
	[tilespmem:s9+$0xA400] =	vst v18;
	v18 =	vadd.s32 v19, v17;
	v17 =	vor.u32 $0x200, v14;
	v30 =	vld.idx.msk [tilespmem:v33+s3+$0x0], $0xffff  }
0xf0: {  	v34 =	vand.u32 $0x7F, v10;
	v22 =	vand.u32 $0x380, v22;
	[tilespmem:s5+$0xC430] =	vst v27;
	v14 =	vmul.f32 $2.540000000e+02, v6;
	v21 =	vld.idx.msk [tilespmem:v21+s15+$0x0], $0xffff  }
0xf1: {  	v31 =	vcvt.f32.s32 v31;
	v16 =	vor.u32 v29, v22;
	v29 =	vand.u32 $0x380, v13;
	v28 =	vld.idx.msk [tilespmem:v24+s15+$0x0], $0xffff  }
0xf2: {  	v13 =	vor.u32 $0x200, v20;
	v19 =	vadd.s32 $0x100, v18;
	v24 =	vadd.f32 $5.000000000e-01, v14;
	v63 =	vld.idx.msk [tilespmem:v20+s15+$0x0], $0xffff  }
0xf3: {  	v27 =	vand.u32 $0x7F, v18;
	v22 =	vand.u32 $0x380, v19;
	v20 =	vmul.f32 $2.540000000e+02, v9;
	v19 =	vld.idx.msk [tilespmem:v8+s3+$0x0], $0xffff;
	[tilespmem:s5+$0xC410] =	vst v26  }
0xf4: {  	v14 =	vor.u32 $0x200, v18;
	v22 =	vor.u32 v27, v22;
	v24 =	vtrunc.f32 v24;
	v17 =	vld.idx.msk [tilespmem:v17+s15+$0x0], $0xffff  }
0xf5: {  	v26 =	vadd.f32 $5.000000000e-01, v20;
	v20 =	vcvt.f32.s32 v24;
	v24 =	vld.idx.msk [tilespmem:v12+s3+$0x0], $0xffff;
	vm0 =	vgt.f32 v15, v30  }
0xf6: {  	v27 =	vld.idx.msk [tilespmem:v18+s15+$0x0], $0xffff;
	[tilespmem:s9+$0xC400] =	vst v21;
	v21 =	vmul.f32 $2.540000000e+02, v4;
	v30 =	vmul.f32 $2.540000000e+02, v7;
	v15 =	vsel vm0, $0x1, v0  }
0xf7: {  	[tilespmem:s5+$0xE420] =	vst v23;
	v23 =	vtrunc.f32 v26;
	v26 =	vld.idx.msk [tilespmem:v10+s15+$0x0], $0xffff;
	vm0 =	vgt.s32 v20, $0x0;
	v15 =	vadd.s32 v15, v33  }
0xf8: {  	[tilespmem:s5+$0xE430] =	vst v28;
	v28 =	vcvt.f32.s32 v23;
	v18 =	vadd.f32 $5.000000000e-01, v21;
	v21 =	vld.idx.msk [tilespmem:v25+s15+$0x0], $0xffff;
	v33 =	vadd.s32 $0x100, v15  }
0xf9: {  	s29 =	simm.s32 $0x300;
	s26 =	simm.s32 $0xC;
	s18 =	simm.s32 $0x100;
	v23 =	vor.u32 v34, v29;
	[tilespmem:s2+$0xA420] =	vst v63;
	v30 =	vadd.f32 $5.000000000e-01, v30;
	v25 =	vld.idx.msk [tilespmem:v11+s3+$0x0], $0xffff;
	v29 =	vand.u32 $0x380, v33  }
.LBB2_5:
0xfa: {  	s19 =	sand.u32 $0x1FC0, s18;
	s26 =	sadd.s32 $0x4, s26;
	vm1 =	vgt.s32 v28, $0x0;
	s29 =	sadd.s32 $0x100, s29;
	vm2 =	vgt.f32 v2, v19;
	v19 =	vand.u32 $0x7F, v15;
	v16 =	vld.idx.msk [tilespmem:v16+s15+$0x0], $0xffff;
	v2 =	vmovc v9  }
0xfb: {  	v32 =	vld [tilespmem:s19+$0x2400];
	s20 =	sshra.s32 s29, $0x2;
	p0 =	slt.u32 s26, $0x1FC;
	v9 =	vnsel vm1, $0x0, v28;
	vm1 =	vgt.s32 v31, $0x0;
	v28 =	vsel vm2, $0x1, v0;
	[tilespmem:s5+$0xE410] =	vst v17;
	s5 =	smov.u32 s2  }
0xfc: {  	s2 =	smov.u32 s0;
	s0 =	smov.u32 s14;
	v17 =	vmin.u32 v9, $0xFE;
	v9 =	vtrunc.f32 v30;
	v30 =	vnsel vm1, $0x0, v31;
	v31 =	vld.idx.msk [tilespmem:v15+s15+$0x0], $0xffff;
	[tilespmem:s5+$0xA430] =	vst v27;
	s14 =	smov.u32 s20  }
0xfd: {  	vm1 =	vgt.f32 v5, v24;
	v5 =	vmovc v7;
	v27 =	vcvt.f32.s32 v9;
	v30 =	vmin.u32 v30, $0xFE;
	[tilespmem:s5+$0xA410] =	vst v26;
	v22 =	vld.idx.msk [tilespmem:v22+s15+$0x0], $0xffff  }
0xfe: {  	v19 =	vor.u32 v19, v29;
	v9 =	vnsel vm0, $0x0, v20;
	v20 =	vsel vm1, $0x1, v0;
	v24 =	vld [tilespmem:s14+$0x2430];
	[tilespmem:s9+$0xE400] =	vst v21;
	s9 =	smov.u32 s16;
	s16 =	smov.u32 s4;
	s4 =	smov.u32 s13  }
0xff: {  	v21 =	vmin.u32 v9, $0xFE;
	v20 =	vadd.s32 v20, v12;
	s13 =	smov.u32 s19;
	v7 =	vld [tilespmem:s14+$0x2420];
	vm0 =	vgt.s32 v27, $0x0  }
0x100: {  	v26 =	vadd.s32 $0x100, v20;
	v9 =	vld [tilespmem:s14+$0x2410];
	v12 =	vnsel vm0, $0x0, v27;
	v27 =	vand.u32 $0x7F, v20;
	[tilespmem:s5+$0xC420] =	vst v16  }
0x101: {  	v16 =	vand.u32 $0x380, v26;
	vm0 =	vgt.f32 v1, v25;
	v1 =	vmovc v6;
	v12 =	vmin.u32 v12, $0xFE;
	v23 =	vld.idx.msk [tilespmem:v23+s15+$0x0], $0xffff  }
0x102: {  	v26 =	vadd.s32 v28, v8;
	v16 =	vor.u32 v27, v16;
	v35 =	vsel vm0, $0x1, v0;
	v25 =	vld.idx.msk [tilespmem:v30+s3+$0x0], $0xffff;
	[tilespmem:s9+$0xA400] =	vst v31  }
0x103: {  	v8 =	vmovc v17;
	v27 =	vadd.s32 $0x100, v26;
	v28 =	vadd.s32 v35, v11;
	v31 =	vor.u32 $0x200, v10;
	v29 =	vld.idx.msk [tilespmem:v19+s15+$0x0], $0xffff;
	[tilespmem:s5+$0xC430] =	vst v22  }
0x104: {  	v33 =	vand.u32 $0x380, v27;
	v11 =	vmovc v21;
	v19 =	vmul.f32 $2.540000000e+02, v24;
	v22 =	vadd.s32 $0x100, v28;
	v6 =	vmovc v24;
	v34 =	vld.idx.msk [tilespmem:v13+s15+$0x0], $0xffff  }
0x105: {  	v35 =	vtrunc.f32 v18;
	v10 =	vmovc v26;
	v13 =	vor.u32 $0x200, v20;
	v18 =	vand.u32 $0x380, v22;
	v21 =	vld.idx.msk [tilespmem:v14+s15+$0x0], $0xffff  }
0x106: {  	v37 =	vor.u32 $0x200, v15;
	v22 =	vadd.f32 $5.000000000e-01, v19;
	v14 =	vor.u32 $0x200, v28;
	v36 =	vld.idx.msk [tilespmem:v20+s15+$0x0], $0xffff  }
0x107: {  	v38 =	vand.u32 $0x7F, v10;
	v15 =	vmul.f32 $2.540000000e+02, v9;
	v19 =	vld.idx.msk [tilespmem:v17+s3+$0x0], $0xffff;
	v17 =	vand.u32 $0x7F, v28;
	[tilespmem:s5+$0xC410] =	vst v23  }
0x108: {  	v20 =	vtrunc.f32 v22;
	vm0 =	vgt.f32 v3, v25;
	v3 =	vmovc v4;
	v22 =	vor.u32 v17, v18;
	v17 =	vld.idx.msk [tilespmem:v31+s15+$0x0], $0xffff  }
.Ltmp1:
0x109: {  	v4 =	vmovc v32;
	v18 =	vadd.f32 $5.000000000e-01, v15;
	v20 =	vcvt.f32.s32 v20;
	v15 =	vsel vm0, $0x1, v0;
	v24 =	vld.idx.msk [tilespmem:v12+s3+$0x0], $0xffff;
	[tilespmem:s9+$0xC400] =	vst v29;
	(pc) =	sbr.rel @p0 .LBB2_5-.Ltmp1, $4  }
0x10a: {  	v25 =	vmul.f32 $2.540000000e+02, v7;
	v23 =	vmul.f32 $2.540000000e+02, v4;
	v15 =	vadd.s32 v15, v30;
	v27 =	vld.idx.msk [tilespmem:v28+s15+$0x0], $0xffff;
	[tilespmem:s5+$0xE420] =	vst v34  }
0x10b: {  	v28 =	vtrunc.f32 v18;
	vm0 =	vgt.s32 v20, $0x0;
	v29 =	vadd.s32 $0x100, v15;
	v26 =	vld.idx.msk [tilespmem:v26+s15+$0x0], $0xffff;
	[tilespmem:s5+$0xE430] =	vst v21  }
0x10c: {  	v18 =	vadd.f32 $5.000000000e-01, v23;
	v23 =	vor.u32 v38, v33;
	v28 =	vcvt.f32.s32 v28;
	[tilespmem:s2+$0xA420] =	vst v36;
	v21 =	vld.idx.msk [tilespmem:v37+s15+$0x0], $0xffff  }
0x10d: {  	s18 =	sadd.s32 $0x40, s18;
	v31 =	vcvt.f32.s32 v35;
	v30 =	vadd.f32 $5.000000000e-01, v25;
	v29 =	vand.u32 $0x380, v29;
	v25 =	vld.idx.msk [tilespmem:v11+s3+$0x0], $0xffff  }
0x10e: {  	_ = 	snop  }
0x10f: {  	vm1 =	vgt.s32 v31, $0x0  }
0x110: {  	v31 =	vnsel vm1, $0x0, v31  }
0x111: {  	v31 =	vmin.u32 v31, $0xFE  }
0x112: {  	v32 =	vand.u32 $0x7F, v15;
	v33 =	vld.idx.msk [tilespmem:v15+s15+$0x0], $0xffff;
	vm6 =	vgt.s32 v28, $0x0  }
0x113: {  	v16 =	vld.idx.msk [tilespmem:v16+s15+$0x0], $0xffff;
	vm2 =	vgt.f32 v5, v24;
	v18 =	vtrunc.f32 v18;
	v39 =	vor.u32 v32, v29  }
0x114: {  	v20 =	vnsel vm0, $0x0, v20;
	vm10 =	vgt.f32 v2, v19;
	[tilespmem:s2+$0xA430] =	vst v27;
	v40 =	vtrunc.f32 v30  }
0x115: {  	v24 =	vsel vm2, $0x1, v0;
	v20 =	vmin.u32 v20, $0xFE;
	v29 =	vcvt.f32.s32 v40;
	v41 =	vld.idx.msk [tilespmem:v22+s15+$0x0], $0xffff  }
0x116: {  	v42 =	vnsel vm6, $0x0, v28;
	v18 =	vcvt.f32.s32 v18;
	[tilespmem:s2+$0xA410] =	vst v26;
	v12 =	vadd.s32 v24, v12;
	v43 =	vld.idx.msk [tilespmem:v31+s3+$0x0], $0xffff  }
0x117: {  	v49 =	vsel vm10, $0x1, v0;
	v22 =	vmin.u32 v42, $0xFE;
	v23 =	vld.idx.msk [tilespmem:v23+s15+$0x0], $0xffff;
	vm7 =	vgt.s32 v29, $0x0;
	[tilespmem:s16+$0xA400] =	vst v33  }
0x118: {  	v8 =	vadd.s32 v49, v8;
	vm8 =	vgt.f32 v1, v25;
	v44 =	vnsel vm7, $0x0, v29;
	[tilespmem:s2+$0xC420] =	vst v16;
	v1 =	vld.idx.msk [tilespmem:v39+s15+$0x0], $0xffff  }
0x119: {  	vm9 =	vgt.s32 v18, $0x0;
	v25 =	vsel vm8, $0x1, v0;
	v45 =	vmin.u32 v44, $0xFE;
	v46 =	vld.idx.msk [tilespmem:v13+s15+$0x0], $0xffff  }
0x11a: {  	v48 =	vnsel vm9, $0x0, v18;
	v2 =	vadd.s32 v25, v11;
	v57 =	vld.idx.msk [tilespmem:v20+s3+$0x0], $0xffff  }
0x11b: {  	v50 =	vld.idx.msk [tilespmem:v12+s15+$0x0], $0xffff;
	vm11 =	vgt.f32 v3, v43;
	v3 =	vmin.u32 v48, $0xFE  }
0x11c: {  	v10 =	vor.u32 $0x200, v10;
	v52 =	vld.idx.msk [tilespmem:v22+s3+$0x0], $0xffff;
	v53 =	vsel vm11, $0x1, v0  }
0x11d: {  	[tilespmem:s5+$0xE410] =	vst v17;
	v59 =	vor.u32 $0x200, v15;
	v51 =	vadd.s32 $0x100, v12;
	v32 =	vld.idx.msk [tilespmem:v8+s15+$0x0], $0xffff;
	v19 =	vadd.s32 v53, v31  }
0x11e: {  	v54 =	vand.u32 $0x7F, v12;
	[tilespmem:s9+$0xE400] =	vst v21;
	v13 =	vand.u32 $0x380, v51;
	v58 =	vadd.s32 $0x100, v2;
	v55 =	vld.idx.msk [tilespmem:v45+s3+$0x0], $0xffff  }
0x11f: {  	[tilespmem:s2+$0xC430] =	vst v41;
	v13 =	vor.u32 v54, v13;
	v62 =	vand.u32 $0x7F, v2;
	v21 =	vand.u32 $0x380, v58;
	v60 =	vld.idx.msk [tilespmem:v2+s15+$0x0], $0xffff  }
0x120: {  	v56 =	vadd.s32 $0x100, v8;
	[tilespmem:s2+$0xC410] =	vst v23;
	v21 =	vor.u32 v62, v21;
	vm13 =	vgt.f32 v6, v57;
	v63 =	vld.idx.msk [tilespmem:v3+s3+$0x0], $0xffff  }
0x121: {  	v47 =	vld.idx.msk [tilespmem:v14+s15+$0x0], $0xffff;
	[tilespmem:s16+$0xC400] =	vst v1;
	vm14 =	vgt.f32 v9, v52;
	v39 =	vsel vm13, $0x1, v0;
	v1 =	vadd.s32 $0x100, v19  }
0x122: {  	[tilespmem:s2+$0xE420] =	vst v46;
	v9 =	vadd.s32 v39, v20;
	v33 =	vand.u32 $0x7F, v19;
	v1 =	vand.u32 $0x380, v1;
	v34 =	vld.idx.msk [tilespmem:v19+s15+$0x0], $0xffff  }
0x123: {  	v61 =	vand.u32 $0x7F, v8;
	v17 =	vand.u32 $0x380, v56;
	v35 =	vld.idx.msk [tilespmem:v10+s15+$0x0], $0xffff;
	[tilespmem:s0+$0xA420] =	vst v50;
	v1 =	vor.u32 v33, v1  }
0x124: {  	v17 =	vor.u32 v61, v17;
	v37 =	vld.idx.msk [tilespmem:v59+s15+$0x0], $0xffff;
	[tilespmem:s0+$0xA410] =	vst v32;
	v41 =	vsel vm14, $0x1, v0;
	vm12 =	vgt.f32 v7, v55  }
0x125: {  	v40 =	vld.idx.msk [tilespmem:v13+s15+$0x0], $0xffff;
	v11 =	vadd.s32 v41, v22;
	[tilespmem:s0+$0xA430] =	vst v60;
	v36 =	vsel vm12, $0x1, v0;
	vm15 =	vgt.f32 v4, v63  }
0x126: {  	[tilespmem:s2+$0xE430] =	vst v47;
	v42 =	vld.idx.msk [tilespmem:v21+s15+$0x0], $0xffff;
	v38 =	vadd.s32 v36, v45;
	v43 =	vsel vm15, $0x1, v0  }
0x127: {  	v2 =	vor.u32 $0x200, v2;
	v50 =	vadd.s32 $0x100, v9;
	v54 =	vld.idx.msk [tilespmem:v9+s15+$0x0], $0xffff;
	[tilespmem:s4+$0xA400] =	vst v34;
	v3 =	vadd.s32 v43, v3  }
0x128: {  	[tilespmem:s2+$0xE410] =	vst v35;
	v49 =	vadd.s32 $0x100, v11;
	v52 =	vand.u32 $0x380, v50;
	v53 =	vand.u32 $0x7F, v9;
	v1 =	vld.idx.msk [tilespmem:v1+s15+$0x0], $0xffff  }
0x129: {  	v12 =	vor.u32 $0x200, v12;
	v7 =	vand.u32 $0x380, v49;
	v10 =	vor.u32 v53, v52;
	[tilespmem:s16+$0xE400] =	vst v37;
	v45 =	vld.idx.msk [tilespmem:v17+s15+$0x0], $0xffff  }
0x12a: {  	v55 =	vand.u32 $0x7F, v11;
	[tilespmem:s0+$0xC420] =	vst v40;
	v44 =	vadd.s32 $0x100, v38;
	v46 =	vand.u32 $0x7F, v38;
	v57 =	vld.idx.msk [tilespmem:v11+s15+$0x0], $0xffff  }
0x12b: {  	v47 =	vand.u32 $0x380, v44;
	[tilespmem:s0+$0xC430] =	vst v42;
	v51 =	vld.idx.msk [tilespmem:v38+s15+$0x0], $0xffff;
	v4 =	vor.u32 v55, v7;
	v56 =	vadd.s32 $0x100, v3  }
0x12c: {  	v48 =	vor.u32 v46, v47;
	[tilespmem:s14+$0xA430] =	vst v54;
	v59 =	vand.u32 $0x7F, v3;
	v58 =	vand.u32 $0x380, v56;
	v60 =	vld.idx.msk [tilespmem:v3+s15+$0x0], $0xffff  }
0x12d: {  	v2 =	vld.idx.msk [tilespmem:v2+s15+$0x0], $0xffff;
	[tilespmem:s4+$0xC400] =	vst v1;
	v1 =	vor.u32 v59, v58  }
0x12e: {  	v61 =	vor.u32 $0x200, v8;
	[tilespmem:s0+$0xC410] =	vst v45;
	v10 =	vld.idx.msk [tilespmem:v10+s15+$0x0], $0xffff  }
0x12f: {  	v9 =	vor.u32 $0x200, v9;
	v12 =	vld.idx.msk [tilespmem:v12+s15+$0x0], $0xffff;
	[tilespmem:s14+$0xA410] =	vst v57  }
0x130: {  	v62 =	vor.u32 $0x200, v19;
	[tilespmem:s14+$0xA420] =	vst v51;
	v4 =	vld.idx.msk [tilespmem:v4+s15+$0x0], $0xffff  }
0x131: {  	v11 =	vor.u32 $0x200, v11;
	v5 =	vld.idx.msk [tilespmem:v48+s15+$0x0], $0xffff;
	[tilespmem:s13+$0xA400] =	vst v60  }
0x132: {  	v6 =	vor.u32 $0x200, v38;
	[tilespmem:s0+$0xE430] =	vst v2;
	v1 =	vld.idx.msk [tilespmem:v1+s15+$0x0], $0xffff  }
0x133: {  	v7 =	vld.idx.msk [tilespmem:v61+s15+$0x0], $0xffff;
	v2 =	vor.u32 $0x200, v3;
	[tilespmem:s14+$0xC430] =	vst v10  }
0x134: {  	[tilespmem:s0+$0xE420] =	vst v12;
	v63 =	vld.idx.msk [tilespmem:v9+s15+$0x0], $0xffff  }
0x135: {  	v3 =	vld.idx.msk [tilespmem:v62+s15+$0x0], $0xffff;
	[tilespmem:s14+$0xC410] =	vst v4  }
0x136: {  	[tilespmem:s14+$0xC420] =	vst v5;
	v4 =	vld.idx.msk [tilespmem:v11+s15+$0x0], $0xffff  }
0x137: {  	v5 =	vld.idx.msk [tilespmem:v6+s15+$0x0], $0xffff;
	[tilespmem:s13+$0xC400] =	vst v1  }
0x138: {  	[tilespmem:s0+$0xE410] =	vst v7;
	v1 =	vld.idx.msk [tilespmem:v2+s15+$0x0], $0xffff  }
0x139: {  	[tilespmem:s14+$0xE430] =	vst v63  }
0x13a: {  	[tilespmem:s4+$0xE400] =	vst v3  }
0x13b: {  	s26 =	sor.u32 s6, s31;
	[tilespmem:s14+$0xE410] =	vst v4  }
0x13c: {  	s0 =	sshrl.u32 s26, $0x3;
	[tilespmem:s14+$0xE420] =	vst v5  }
0x13d: {  	s29 =	sor.u32 s10, s31;
	s30 =	sadd.s32 $0x1, s30;
	s0 =	sadd.s32 s7, s0;
	[tilespmem:s13+$0xE400] =	vst v1  }
0x13e: {  	[hbm4b:s0+s3] =	stream.linear.scatter [tilespmem:s23], [sflag:$0x4], $0x2000, $0x38;
	[tilespmem:$0x10400] =	vst v63  }
0x13f: {  	p0 =	sne.s32 s30, $0x10;
	s0 =	sshrl.u32 s29, $0x3  }
.Ltmp2:
0x140: {  	s31 =	sor.u32 s11, s31;
	s0 =	sadd.s32 s7, s0;
	(pc) =	sbr.rel @p0 .LBB2_2-.Ltmp2, $4  }
0x141: {  	[hbm4b:s0+s3] =	stream.linear.scatter [tilespmem:s24], [sflag:$0x4], $0x2000, $0x38;
	[tilespmem:$0x10400] =	vst v63  }
0x142: {  	s0 =	sshrl.u32 s31, $0x3  }
0x143: {  	s0 =	sadd.s32 s7, s0  }
0x144: {  	[hbm4b:s0+s3] =	stream.linear.scatter [tilespmem:s25], [sflag:$0x4], $0x2000, $0x38;
	[tilespmem:$0x10400] =	vst v63  }
0x145: {  	s0 =	simm.s32 $0x3  }
0x146: {  	_ =	swait.ge [sflag:s0], $0x2000  }
0x147: {  	[sflag:s0] =	ssyncset.done $0x0  }
0x148: {  	[sflag:s0] =	ssyncadd.s32 $0xFFFFE000  }
0x149: {  	_ =	swait.ge [sflag:s0], $0x2000  }
0x14a: {  	[sflag:s0] =	ssyncset.done $0x0  }
0x14b: {  	[sflag:s0] =	ssyncadd.s32 $0xFFFFE000  }
0x14c: {  	_ =	swait.ge [sflag:s0], $0x2000  }
0x14d: {  	[sflag:s0] =	ssyncset.done $0x0  }
0x14e: {  	[sflag:s0] =	ssyncadd.s32 $0xFFFFE000  }
0x14f: {  	_ =	swait.ge [sflag:s28], $0x2000  }
0x150: {  	[sflag:s28] =	ssyncset.done $0x0  }
0x151: {  	[sflag:s28] =	ssyncadd.s32 $0xFFFFE000  }
0x152: {  	_ =	swait.ge [sflag:s28], $0x2000  }
0x153: {  	[sflag:s28] =	ssyncset.done $0x0  }
0x154: {  	[sflag:s28] =	ssyncadd.s32 $0xFFFFE000  }
0x155: {  	_ =	swait.ge [sflag:s28], $0x2000  }
0x156: {  	s2 =	rddreg [dreg:$0x7]  }
0x157: {  	s31 =	rddreg [dreg:$0x6];
	s2 =	sadd.s32 $0x1, s2  }
0x158: {  	p0 =	sne.s32 s2, s31  }
.Ltmp3:
0x159: {  	_ = 	snop;
	(pc) =	sbr.rel @p0 .LBB2_1-.Ltmp3, $3  }
0x15a: {  	_ =	sdelay $0x1  }
0x15b: {  	[sflag:s28] =	ssyncset.done $0x0  }
0x15c: {  	[sflag:s28] =	ssyncadd.s32 $0xFFFFE000  }
0x15d: {  	_ =	sfence.sel $0x180000  }
0x15e: {  	[bflag:$0x0] =	sbarrier.arrive $0xFFFF  }
0x15f: {  	_ =	strace $0x9000004A  }
0x160: {  	s0 =	stileid.u32;
	[bflag:$0x2] =	sbarrier.arrive $0xFFFF  }
0x161: {  	p0 =	sne.s32 s0, $0x0;
	s0 =	rddreg [dreg:$0x2]  }
0x162: {  	s0 =	sadd.s32 @!p0 $0x100000, s0  }
0x163: {  	[sflag:s0] =	ssyncadd.tile.s32 @!p0 $0x1;
	_ =	shalt  }
.Lfunc_end2:
_tile_overlayer_lowered:
.L_overlay_start_2:
0x164: {  	(tag) =	ssettag $0x2  }
0x165: {  	s0 =	rddreg [dreg:$0x0];
	s2 =	stileid.u32  }
0x166: {  	s1 =	rddreg [dreg:$0x1];
	p0 =	sne.s32 s2, $0x0  }
0x167: {  	s3 =	rddreg [dreg:$0x2];
	[bflag:$0x3] =	sbarrier.arrive $0xFFFF;
	s2 =	simm.s32 @!p0 $0x1C05  }
0x168: {  	[timem:s3], [sflag:s2] =	dma.local @!p0 [hbm:s0], s1  }
0x169: {  	s0 =	simm.s32 @!p0 $0x5  }
0x16a: {  	_ =	swait.ge @!p0 [sflag:s0], s1  }
0x16b: {  	s1 =	ssub.s32 @!p0 $0x0, s1;
	[sflag:s0] =	ssyncset.done @!p0 $0x0  }
0x16c: {  	[sflag:s0] =	ssyncadd.s32 @!p0 s1  }
0x16d: {  	[bflag:$0x3] =	sbarrier.arrive $0xFFFF  }
0x16e: {  	_ =	shalt  }

// kernel: sparse-core-data-format-call.cloned.1.call-start
scs
called_computation_lowered:
.L_overlay_start_0:
0x0: {  	s2 =	sld [smem:$0x3FD9]  }
0x1: {  	s3 =	sld [smem:$0x3FFE];
	_ =	sdelay $0x1  }
0x2: {  	s1 =	srdreg.scid  }
0x3: {  	s0 =	sand.u32 $0x1, s1  }
0x4: {  	s19 =	sshll.u32 s0, $0xA;
	s2 =	sadd.s32 s3, s2  }
0x5: {  	s2 =	sadd.s32 s2, s19  }
0x6: {  	[smem:$0x3FC6] =	sst s2  }
0x7: {  	_ = 	snop  }
0x8: {  	s2 =	sld [smem:$0x3FC9]  }
0x9: {  	s20 =	sld [smem:$0x3FD0];
	(tm) =	ssettm $0x1  }
0xa: {  	s4 =	sld [smem:$0x3FFB];
	_ =	sdelay $0x3  }
0xb: {  	_ =	strace s4  }
0xc: {  	s4 =	sld [smem:$0x3FFC];
	_ =	sdelay $0x3  }
0xd: {  	_ =	strace s4  }
0xe: {  	s4 =	sld [smem:$0x3FFD];
	_ =	sdelay $0x3  }
0xf: {  	_ =	strace s4  }
0x10: {  	_ =	strace $0x8FFFFFFF  }
0x11: {  	s21 =	sld [smem:$0x3FDB];
	_ =	sdelay $0x1  }
0x12: {  	s5 =	simm.s32 $_scs_section_size  }
0x13: {  	s6 =	simm.s32 $_size__tile_overlayer_lowered;
	s7 =	simm.s32 $_tile_overlayer_lowered  }
0x14: {  	s24 =	simm.s32 $0x1BFF;
	s23 =	sshll.u32 s7, $0x1;
	s4 =	sadd.s32 s5, s21  }
0x15: {  	s8 =	simm.s32 $0x0;
	s22 =	sshll.u32 s6, $0x1;
	s6 =	sadd.s32 s23, s4  }
0x16: {  	[timem:s8], [sflag:s24] =	dma.local [hbm:s6], s22  }
0x17: {  	_ =	swait.ge [sflag:s24], s22  }
0x18: {  	s5 =	ssub.s32 $0x0, s22;
	[sflag:s24] =	ssyncset.done $0x0  }
0x19: {  	[sflag:s24] =	ssyncadd.s32 s5;
	_ =	sdelay $0x1  }
0x1a: {  	s25 =	simm.s32 $0x1B8B  }
0x1b: {  	_ =	swait.ge [sflag:s25], $0x1  }
0x1c: {  	[sflag:s25] =	ssyncset.done $0x0  }
0x1d: {  	s26 =	simm.s32 $0x1B8E;
	[sflag:s25] =	ssyncadd.s32 $0xFFFFFFFF  }
0x1e: {  	s27 =	simm.s32 $execute0_lowered;
	[smem:$0x3FD2] =	sst s26  }
0x1f: {  	s5 =	sshll.u32 s27, $0x1;
	_ =	strace $0x80000046;
	[dreg:$0x1] =	wrdreg $0xFFFFFFFF  }
0x20: {  	s28 =	simm.s32 $_size_execute0_lowered;
	s4 =	sadd.s32 s4, s5;
	[dreg:$0x0] =	wrdreg $0x0  }
0x21: {  	s5 =	sshll.u32 s28, $0x1;
	[dreg:$0x2] =	wrdreg s4  }
0x22: {  	[dreg:$0x3] =	wrdreg s5  }
0x23: {  	[dreg:$0x4] =	wrdreg $0xC0  }
0x24: {  	_ =	task [dreg:s8], $0x5FFFF  }
0x25: {  	[dreg:$0x1] =	wrdreg $0xFFFFFFFF  }
0x26: {  	[dreg:$0x0] =	wrdreg $0x60  }
0x27: {  	[dreg:$0x2] =	wrdreg s2  }
0x28: {  	[dreg:$0x3] =	wrdreg s20  }
0x29: {  	[dreg:$0x4] =	wrdreg $0x9  }
0x2a: {  	_ =	task.clear_ibuf [dreg:s8], $0x5FFFF;
	_ =	strace $0x90000046  }
0x2b: {  	s29 =	simm.s32 $0x9;
	_ =	strace $0x80000048  }
0x2c: {  	_ =	swait.ge [sflag:s29], $0x1  }
0x2d: {  	[sflag:s29] =	ssyncadd.s32 $0xFFFFFFFF  }
0x2e: {  	_ =	strace $0x90000048  }
0x2f: {  	_ =	sfence  }
0x30: {  	s30 =	sld [smem:$0x0];
	_ =	sdelay $0x2  }
0x31: {  	s31 =	sshll.u32 s1, $0xD;
	s1 =	sshrl.u32 s1, $0x2  }
0x32: {  	s3 =	sand.u32 $0x4000, s31;
	s1 =	sadd.s32 s1, s30  }
0x33: {  	s0 =	sor.u32 s3, s0;
	s1 =	sshll.u32 s1, $0x11  }
0x34: {  	s0 =	sor.u32 s1, s0  }
0x35: {  	s0 =	sadd.s32 $0x8F2B, s0  }
0x36: {  	[sflag:s0] =	ssyncadd.remote.s32 $0x1  }
0x37: {  	_ =	sfence.sel $0xFFFF  }
0x38: {  	[dreg:$0x0] =	wrdreg $0xFFFFFFFF;
	(pc) =	sbr.abs _section_cstart, $3  }
0x39: {  	[dreg:$0x1] =	wrdreg $0xFFFFFFFF  }
0x3a: {  	_ =	task.clear_ibuf [dreg:s8], $0x2FFFF;
	_ =	strace $0x9FFFFFFF  }
0x3b: {  	(tm) =	ssettm $0x7FFFFFFF  }
tec
execute0_lowered:
.L_overlay_start_1:
0x0: {  	(tag) =	ssettag $0x1  }
0x1: {  	s0 =	srdreg.scid  }
0x2: {  	s1 =	sshll.u32 s0, $0x4  }
0x3: {  	s2 =	rddreg [dreg:$0x0];
	s0 =	stileid.u32;
	s1 =	sand.u32 $0x10, s1  }
0x4: {  	s4 =	rddreg [dreg:$0x1];
	s1 =	sor.u32 s0, s1  }
0x5: {  	s7 =	simm.s32 $0x1;
	s8 =	simm.s32 $0x2;
	s3 =	sshll.u32 s1, $0x2  }
0x6: {  	s9 =	simm.s32 $0x0;
	s12 =	simm.s32 $0x0;
	s6 =	ssub.s32 $0x800, s3  }
.Ltmp0:
0x7: {  	s11 =	simm.s32 $0x0;
	s5 =	sand.u32 $0x7C, s6;
	(pc) =	sbr.rel .LBB1_1-.Ltmp0, $4  }
0x8: {  	s1 =	rddreg [dreg:$0x2];
	_ =	strace $0x80000047;
	p0 =	sne.s32 s5, $0x0  }
0x9: {  	s6 =	sshrl.u32 s6, $0x7;
	s5 =	simm.s32 $0x1;
	s7 =	simm.s32 @!p0 $0x0  }
0xa: {  	s10 =	smov.u32 s3;
	[sflag:s5] =	ssyncpa.u1 $0x0;
	s6 =	sadd.s32 s7, s6  }
0xb: {  	[sflag:s8] =	ssyncpa.u1 $0x0;
	s8 =	simm.s32 $0x0;
	s7 =	sadd.s32 $0x1, s6  }
.LBB1_9:
0xc: {  	s14 =	sadd.s32 $0x80, s10  }
0xd: {  	p1 =	sgt.s32 s14, $0x7FF  }
0xe: {  	s14 =	smov.u32 @p1 s3;
	p1 =	sne.s32 s11, s7  }
.Ltmp1:
0xf: {  	p0 =	slt.u32 s11, $0x2;
	(pc) =	sbr.rel @!p1 .LBB1_10-.Ltmp1, $4  }
0x10: {  	s13 =	simm.s32 @!p0 $0x2  }
0x11: {  	s15 =	sadd.s32 $0x1, s11;
	_ =	swait.ge @!p0 [sflag:s13], $0x4000  }
0x12: {  	s12 =	smov.u32 s10;
	s9 =	sadd.s32 $0x4000, s9;
	[sflag:s13] =	ssyncset.done @!p0 $0x0  }
0x13: {  	s11 =	smov.u32 s15;
	s10 =	smov.u32 s14;
	[sflag:s13] =	ssyncadd.s32 @!p0 $0xFFFFC000  }
.LBB1_1:
0x14: {  	p0 =	sge.u32 s11, s6  }
0x15: {  	s13 =	sxor.u32 @!p0 $0xFFFFFFFF, s11  }
0x16: {  	s31 =	sadd.s32 $0xFFFFFFFF, s11;
	s14 =	sshll.u32 @!p0 s10, $0x9;
	s13 =	sshll.u32 @!p0 s13, $0xE  }
0x17: {  	s15 =	simm.s32 @!p0 $0x0;
	s14 =	sadd.s32 @!p0 s2, s14;
	s13 =	sand.u32 @!p0 $0x4000, s13  }
0x18: {  	[tilespmem:s13], [sflag:$0x1] =	stream.linear.gather @!p0 [hbm4b:s14+s15], $0x4000, $0x38;
	[tilespmem:$0x10000] =	vst v63  }
0x19: {  	p0 =	sge.u32 s31, s6  }
.Ltmp2:
0x1a: {  	_ = 	snop;
	(pc) =	sbr.rel @p0 .LBB1_9-.Ltmp2, $1  }
0x1b: {  	_ =	sdelay $0x3  }
0x1c: {  	s14 =	sand.u32 $0x4000, s9  }
0x1d: {  	_ =	swait.ge [sflag:s5], $0x4000;
	s15 =	sshll.u32 s11, $0xE;
	s16 =	simm.s32 $0x0  }
0x1e: {  	s13 =	sor.u32 $0x40, s14;
	[sflag:s5] =	ssyncset.done $0x0;
	s15 =	sand.u32 $0x4000, s15  }
0x1f: {  	s14 =	sor.u32 $0x8040, s14;
	[sflag:s5] =	ssyncadd.s32 $0xFFFFC000;
	s15 =	sor.u32 $0x8000, s15  }
.LBB1_3:
0x20: {  	s17 =	smov.u32 s14;
	s18 =	smov.u32 s13;
	s19 =	simm.s32 $0x0  }
.LBB1_4:
0x21: {  	v0 =	vmov s17;
	v2 =	vld [tilespmem:s18+$0x30]  }
0x22: {  	v4 =	vld [tilespmem:s18+$0xFFFFFFD0]  }
0x23: {  	v6 =	vld [tilespmem:s18+$0xFFFFFFE0]  }
0x24: {  	v7 =	vld [tilespmem:s18+$0xFFFFFFF0]  }
0x25: {  	s20 =	simm.s32 $0x0;
	v1 =	vld [tilespmem:s18+$0x0]  }
0x26: {  	v3 =	vld [tilespmem:s18+$0x10];
	[tilespmem:v0+s20+$0x30 ss:$0x1] =	vst.idx.msk $0xffff, v2  }
0x27: {  	v5 =	vld [tilespmem:s18+$0x20];
	[tilespmem:v0+s20+$0xFFFFFFD0 ss:$0x1] =	vst.idx.msk $0xffff, v4  }
0x28: {  	s21 =	sadd.s32 $0x80, s18;
	v2 =	vld [tilespmem:s18+$0xFFFFFFC0];
	[tilespmem:v0+s20+$0xFFFFFFE0 ss:$0x1] =	vst.idx.msk $0xffff, v6  }
0x29: {  	s22 =	simm.s32 $0x800;
	s23 =	simm.s32 $0x1000;
	v4 =	vld [tilespmem:s21+$0x30];
	[tilespmem:v0+s20+$0xFFFFFFF0 ss:$0x1] =	vst.idx.msk $0xffff, v7  }
.LBB1_5:
0x2a: {  	p0 =	sne.s32 s23, $0x3800;
	v6 =	vld [tilespmem:s21+$0xFFFFFFD0];
	[tilespmem:v0+s20+$0x0 ss:$0x1] =	vst.idx.msk $0xffff, v1  }
0x2b: {  	v7 =	vld [tilespmem:s21+$0xFFFFFFE0];
	[tilespmem:v0+s20+$0x10 ss:$0x1] =	vst.idx.msk $0xffff, v3  }
0x2c: {  	v8 =	vld [tilespmem:s21+$0xFFFFFFF0];
	[tilespmem:v0+s20+$0x20 ss:$0x1] =	vst.idx.msk $0xffff, v5  }
.Ltmp3:
0x2d: {  	v1 =	vld [tilespmem:s21+$0x0];
	[tilespmem:v0+s20+$0xFFFFFFC0 ss:$0x1] =	vst.idx.msk $0xffff, v2;
	s20 =	sshra.s32 s22, $0x2;
	s22 =	smov.u32 s23;
	(pc) =	sbr.rel @p0 .LBB1_5-.Ltmp3, $4  }
0x2e: {  	v3 =	vld [tilespmem:s21+$0x10];
	[tilespmem:v0+s20+$0x30 ss:$0x1] =	vst.idx.msk $0xffff, v4  }
0x2f: {  	[tilespmem:v0+s20+$0xFFFFFFD0 ss:$0x1] =	vst.idx.msk $0xffff, v6;
	v5 =	vld [tilespmem:s21+$0x20]  }
0x30: {  	v2 =	vld [tilespmem:s21+$0xFFFFFFC0];
	[tilespmem:v0+s20+$0xFFFFFFE0 ss:$0x1] =	vst.idx.msk $0xffff, v7;
	s21 =	sadd.s32 $0x80, s21  }
0x31: {  	s23 =	sadd.s32 $0x800, s23;
	v4 =	vld [tilespmem:s21+$0x30];
	[tilespmem:v0+s20+$0xFFFFFFF0 ss:$0x1] =	vst.idx.msk $0xffff, v8  }
0x32: {  	_ =	sdelay $0x3  }
0x33: {  	v6 =	vld [tilespmem:s21+$0xFFFFFFD0];
	[tilespmem:v0+s20+$0x0 ss:$0x1] =	vst.idx.msk $0xffff, v1  }
0x34: {  	v58 =	vld [tilespmem:s21+$0xFFFFFFE0];
	[tilespmem:v0+s20+$0x10 ss:$0x1] =	vst.idx.msk $0xffff, v3  }
0x35: {  	v59 =	vld [tilespmem:s21+$0xFFFFFFF0];
	[tilespmem:v0+s20+$0x20 ss:$0x1] =	vst.idx.msk $0xffff, v5  }
0x36: {  	s22 =	sshra.s32 s22, $0x2;
	v60 =	vld [tilespmem:s21+$0x0];
	[tilespmem:v0+s20+$0xFFFFFFC0 ss:$0x1] =	vst.idx.msk $0xffff, v2  }
0x37: {  	v61 =	vld [tilespmem:s21+$0x10];
	[tilespmem:v0+s22+$0x30 ss:$0x1] =	vst.idx.msk $0xffff, v4  }
0x38: {  	v62 =	vld [tilespmem:s21+$0x20];
	s19 =	sadd.s32 $0x1, s19;
	[tilespmem:v0+s22+$0xFFFFFFD0 ss:$0x1] =	vst.idx.msk $0xffff, v6  }
0x39: {  	v63 =	vld [tilespmem:s21+$0xFFFFFFC0];
	p0 =	sne.s32 s19, $0x4;
	[tilespmem:v0+s22+$0xFFFFFFE0 ss:$0x1] =	vst.idx.msk $0xffff, v58  }
.Ltmp4:
0x3a: {  	[tilespmem:v0+s22+$0xFFFFFFF0 ss:$0x1] =	vst.idx.msk $0xffff, v59;
	(pc) =	sbr.rel @p0 .LBB1_4-.Ltmp4, $4  }
0x3b: {  	[tilespmem:v0+s22+$0x0 ss:$0x1] =	vst.idx.msk $0xffff, v60  }
0x3c: {  	[tilespmem:v0+s22+$0x10 ss:$0x1] =	vst.idx.msk $0xffff, v61  }
0x3d: {  	[tilespmem:v0+s22+$0x20 ss:$0x1] =	vst.idx.msk $0xffff, v62  }
0x3e: {  	s18 =	sadd.s32 $0x400, s18;
	s17 =	sadd.s32 $0x80, s17;
	[tilespmem:v0+s22+$0xFFFFFFC0 ss:$0x1] =	vst.idx.msk $0xffff, v63  }
0x3f: {  	s16 =	sadd.s32 $0x1, s16  }
0x40: {  	p0 =	sne.s32 s16, $0x4  }
.Ltmp5:
0x41: {  	_ = 	snop;
	(pc) =	sbr.rel @p0 .LBB1_3-.Ltmp5, $2  }
0x42: {  	_ =	sdelay $0x2  }
0x43: {  	s13 =	sadd.s32 $0x1000, s13;
	s14 =	sadd.s32 $0x1000, s14  }
.Ltmp6:
0x44: {  	(pc) =	sbr.rel .LBB1_9-.Ltmp6, $4  }
0x45: {  	_ = 	snop  }
0x46: {  	s12 =	sshll.u32 s12, $0x9  }
0x47: {  	s12 =	sadd.s32 s4, s12  }
0x48: {  	[hbm4b:s12+s8] =	stream.linear.scatter [tilespmem:s15], [sflag:$0x2], $0x4000, $0x38;
	[tilespmem:$0x10000] =	vst v63  }
.LBB1_10:
0x49: {  	_ =	sfence.sel $0x180000  }
0x4a: {  	s2 =	simm.s32 $0x1;
	[bflag:$0x0] =	sbarrier.arrive $0xFFFF  }
0x4b: {  	s31 =	simm.s32 $0x2;
	[sflag:s2] =	ssyncpa.u1 $0x1  }
0x4c: {  	[sflag:s31] =	ssyncpa.u1 $0x1  }
0x4d: {  	p0 =	sne.s32 s0, $0x0;
	_ =	strace $0x90000047  }
0x4e: {  	s0 =	sadd.s32 @!p0 $0x100000, s1;
	[bflag:$0x2] =	sbarrier.arrive $0xFFFF  }
0x4f: {  	[sflag:s0] =	ssyncadd.tile.s32 @!p0 $0x1;
	_ =	shalt  }
.Lfunc_end1:
_tile_overlayer_lowered:
.L_overlay_start_2:
0x50: {  	(tag) =	ssettag $0x2  }
0x51: {  	s0 =	rddreg [dreg:$0x0];
	s2 =	stileid.u32  }
0x52: {  	s1 =	rddreg [dreg:$0x1];
	p0 =	sne.s32 s2, $0x0  }
0x53: {  	s3 =	rddreg [dreg:$0x2];
	[bflag:$0x3] =	sbarrier.arrive $0xFFFF;
	s2 =	simm.s32 @!p0 $0x1C01  }
0x54: {  	[timem:s3], [sflag:s2] =	dma.local @!p0 [hbm:s0], s1  }
0x55: {  	s0 =	simm.s32 @!p0 $0x1  }
0x56: {  	_ =	swait.ge @!p0 [sflag:s0], s1  }
0x57: {  	s1 =	ssub.s32 @!p0 $0x0, s1;
	[sflag:s0] =	ssyncset.done @!p0 $0x0  }
0x58: {  	[sflag:s0] =	ssyncadd.s32 @!p0 s1  }
0x59: {  	[bflag:$0x3] =	sbarrier.arrive $0xFFFF  }
0x5a: {  	_ =	shalt  }

</sc_bundles>
